<compile_context>
chip_gen: v7x
topology: tpu7x:2x2x1
jax: 0.10.2.dev20260603
libtpu: 0.0.44.dev20260713+nightly
codegen_flags: <defaults>
</compile_context>

<pallas_src>
import functools

import jax
import jax.numpy as jnp
from jax import lax
from jax.experimental import pallas as pl
from jax.experimental.pallas import tpu as pltpu
from jax.experimental.pallas import tpu_sc as plsc

B = 8
N = 2048
P = 512
K = 32
C0 = 128
NTOT = B * P * K
F32 = jnp.float32
I32 = jnp.int32



def _fps_body(xt_ref, f0_ref, nx_ref, ny_ref, nz_ref):
    x = xt_ref[0]
    y = xt_ref[1]
    z = xt_ref[2]
    iota_n = lax.broadcasted_iota(I32, (B, N), 1)
    iota_p = lax.broadcasted_iota(I32, (B, P), 1)

    def body(i, carry):
        distance, f, nx, ny, nz = carry
        mask = iota_n == f
        cx = jnp.sum(jnp.where(mask, x, 0.0), axis=1, keepdims=True)
        cy = jnp.sum(jnp.where(mask, y, 0.0), axis=1, keepdims=True)
        cz = jnp.sum(jnp.where(mask, z, 0.0), axis=1, keepdims=True)
        d = (x - cx) ** 2 + (y - cy) ** 2
        d = d + (z - cz) ** 2
        distance = jnp.minimum(distance, d)
        m = jnp.max(distance, axis=1, keepdims=True)
        fnew = jnp.min(jnp.where(distance == m, iota_n, N), axis=1, keepdims=True)
        sel = iota_p == i
        nx = jnp.where(sel, cx, nx)
        ny = jnp.where(sel, cy, ny)
        nz = jnp.where(sel, cz, nz)
        return (distance, fnew, nx, ny, nz)

    init = (
        jnp.full((B, N), 1e10, F32),
        f0_ref[...],
        jnp.zeros((B, P), F32),
        jnp.zeros((B, P), F32),
        jnp.zeros((B, P), F32),
    )
    _, _, nx, ny, nz = lax.fori_loop(0, P, body, init)
    nx_ref[...] = nx
    ny_ref[...] = ny
    nz_ref[...] = nz


def _fps(xyz_t, f0):
    return pl.pallas_call(
        _fps_body,
        out_shape=[jax.ShapeDtypeStruct((B, P), F32)] * 3,
    )(xyz_t, f0)




def _knn_body(xbt_ref, nx_ref, ny_ref, nz_ref, idx_ref):
    x = xbt_ref[0, 0:1, :]
    y = xbt_ref[0, 1:2, :]
    z = xbt_ref[0, 2:3, :]
    qx = nx_ref[0]
    qy = ny_ref[0]
    qz = nz_ref[0]
    dist = (qx - x) ** 2 + (qy - y) ** 2
    dist = dist + (qz - z) ** 2
    iota = lax.broadcasted_iota(I32, (P, N), 1)
    base = pl.program_id(0) * N
    inf = jnp.float32(jnp.inf)
    for j in range(K):
        m = jnp.min(dist, axis=1, keepdims=True)
        sel = jnp.min(jnp.where(dist == m, iota, N), axis=1, keepdims=True)
        idx_ref[0, :, j : j + 1] = sel + base
        dist = jnp.where(iota == sel, inf, dist)


def _knn(xyz_bt, nx3, ny3, nz3):
    return pl.pallas_call(
        _knn_body,
        grid=(B,),
        in_specs=[
            pl.BlockSpec((1, 3, N), lambda b: (b, 0, 0)),
            pl.BlockSpec((1, P, 1), lambda b: (b, 0, 0)),
            pl.BlockSpec((1, P, 1), lambda b: (b, 0, 0)),
            pl.BlockSpec((1, P, 1), lambda b: (b, 0, 0)),
        ],
        out_specs=pl.BlockSpec((1, P, K), lambda b: (b, 0, 0)),
        out_shape=jax.ShapeDtypeStruct((B, P, K), I32),
    )(xyz_bt, nx3, ny3, nz3)




def _table_body(m_ref, w_ref, t_ref):
    t_ref[...] = jnp.dot(m_ref[...], w_ref[...], preferred_element_type=F32)


def _table(m, wcat):
    rows = B * N
    tile = 2048
    return pl.pallas_call(
        _table_body,
        grid=(rows // tile,),
        in_specs=[
            pl.BlockSpec((tile, C0 + 3), lambda t: (t, 0)),
            pl.BlockSpec((C0 + 3, C0), lambda t: (0, 0)),
        ],
        out_specs=pl.BlockSpec((tile, C0), lambda t: (t, 0)),
        out_shape=jax.ShapeDtypeStruct((rows, C0), F32),
    )(m, wcat)



_NC = 2
_NS = 16
_NW = _NC * _NS
_CHUNK = 128
_PER_W = NTOT // _NW
_NCHUNK = _PER_W // _CHUNK


def _gather_sc_body(tab_ref, idx_ref, out_ref, idx_v, rows_v, sem):
    cid = lax.axis_index("c")
    sid = lax.axis_index("s")
    wid = sid * _NC + cid
    base = wid * _PER_W

    def body(j, _):
        off = base + j * _CHUNK
        pltpu.sync_copy(idx_ref.at[pl.ds(off, _CHUNK)], idx_v)
        pltpu.async_copy(tab_ref.at[idx_v], rows_v, sem).wait()
        pltpu.sync_copy(rows_v, out_ref.at[pl.ds(off, _CHUNK), :])
        return 0

    lax.fori_loop(0, _NCHUNK, body, 0)


def _gather_sc(table, idx_flat):
    mesh = plsc.VectorSubcoreMesh(
        core_axis_name="c", subcore_axis_name="s", num_cores=_NC, num_subcores=_NS
    )
    fn = pl.kernel(
        _gather_sc_body,
        out_type=jax.ShapeDtypeStruct((NTOT, C0), F32),
        mesh=mesh,
        scratch_types=[
            pltpu.VMEM((_CHUNK,), I32),
            pltpu.VMEM((_CHUNK, C0), F32),
            pltpu.SemaphoreType.DMA,
        ],
    )
    return fn(table, idx_flat)



QT = 64
GRID = (B * P) // QT
_EPS = 1e-5


def _y1_tile(g_ref, nxyz_ref, w1x_ref, b1_ref):
    bq = jnp.dot(nxyz_ref[...], w1x_ref[...], preferred_element_type=F32)
    return g_ref[...] - bq[:, None, :] + b1_ref[...][None]


def _bn_relu_tile(y, stats_ref, g_ref, be_ref, n):
    mean = stats_ref[0:1, :] * (1.0 / n)
    exx = stats_ref[1:2, :] * (1.0 / n)
    var = exx - mean * mean
    xh = (y - mean[None]) * lax.rsqrt(var[None] + _EPS)
    return jax.nn.relu(xh * g_ref[...][None] + be_ref[...][None])


def _accum_stats(y, acc, stats_ref):
    pid = pl.program_id(0)

    @pl.when(pid == 0)
    def _():
        acc[...] = jnp.zeros_like(acc)

    s = jnp.sum(y, axis=(0, 1))
    ss = jnp.sum(y * y, axis=(0, 1))
    acc[0:1, :] += s[None]
    acc[1:2, :] += ss[None]

    @pl.when(pid == GRID - 1)
    def _():
        stats_ref[...] = acc[...]


def _stats1_body(g_ref, nxyz_ref, w1x_ref, b1_ref, stats_ref, acc):
    y1 = _y1_tile(g_ref, nxyz_ref, w1x_ref, b1_ref)
    _accum_stats(y1, acc, stats_ref)


def _layer2_body(
    g_ref, nxyz_ref, w1x_ref, b1_ref, s1_ref, g1_ref, be1_ref, w2_ref, b2_ref,
    y2_ref, s2_ref, acc,
):
    y1 = _y1_tile(g_ref, nxyz_ref, w1x_ref, b1_ref)
    z1 = _bn_relu_tile(y1, s1_ref, g1_ref, be1_ref, NTOT)
    y2 = jnp.dot(
        z1.reshape(QT * K, C0), w2_ref[...], preferred_element_type=F32
    ) + b2_ref[...]
    y2 = y2.reshape(QT, K, C0)
    _accum_stats(y2, acc, s2_ref)
    y2_ref[...] = y2


def _layer3_body(y2_ref, s2_ref, g2_ref, be2_ref, w3_ref, b3_ref, y3_ref, s3_ref, acc):
    z2 = _bn_relu_tile(y2_ref[...], s2_ref, g2_ref, be2_ref, NTOT)
    y3 = jnp.dot(
        z2.reshape(QT * K, C0), w3_ref[...], preferred_element_type=F32
    ) + b3_ref[...]
    y3 = y3.reshape(QT, K, 2 * C0)
    _accum_stats(y3, acc, s3_ref)
    y3_ref[...] = y3


def _final_body(y3_ref, s3_ref, g3_ref, be3_ref, out_ref):
    z3 = _bn_relu_tile(y3_ref[...], s3_ref, g3_ref, be3_ref, NTOT)
    out_ref[...] = jnp.max(z3, axis=1)


def _tile_spec(c):
    return pl.BlockSpec((QT, K, c), lambda t: (t, 0, 0))


def _full_spec(r, c):
    return pl.BlockSpec((r, c), lambda t: (0, 0))


def _mlp(g3d, nxyz_flat, w1x, b1, g1, be1, w2, b2, g2, be2, w3, b3, g3, be3):
    nxyz_spec = pl.BlockSpec((QT, 3), lambda t: (t, 0))

    stats1 = pl.pallas_call(
        _stats1_body,
        grid=(GRID,),
        in_specs=[_tile_spec(C0), nxyz_spec, _full_spec(3, C0), _full_spec(1, C0)],
        out_specs=_full_spec(8, C0),
        out_shape=jax.ShapeDtypeStruct((8, C0), F32),
        scratch_shapes=[pltpu.VMEM((8, C0), F32)],
    )(g3d, nxyz_flat, w1x, b1)

    y2, stats2 = pl.pallas_call(
        _layer2_body,
        grid=(GRID,),
        in_specs=[
            _tile_spec(C0), nxyz_spec, _full_spec(3, C0), _full_spec(1, C0),
            _full_spec(8, C0), _full_spec(1, C0), _full_spec(1, C0),
            _full_spec(C0, C0), _full_spec(1, C0),
        ],
        out_specs=[_tile_spec(C0), _full_spec(8, C0)],
        out_shape=[
            jax.ShapeDtypeStruct((B * P, K, C0), F32),
            jax.ShapeDtypeStruct((8, C0), F32),
        ],
        scratch_shapes=[pltpu.VMEM((8, C0), F32)],
    )(g3d, nxyz_flat, w1x, b1, stats1, g1, be1, w2, b2)

    y3, stats3 = pl.pallas_call(
        _layer3_body,
        grid=(GRID,),
        in_specs=[
            _tile_spec(C0), _full_spec(8, C0), _full_spec(1, C0), _full_spec(1, C0),
            _full_spec(C0, 2 * C0), _full_spec(1, 2 * C0),
        ],
        out_specs=[_tile_spec(2 * C0), _full_spec(8, 2 * C0)],
        out_shape=[
            jax.ShapeDtypeStruct((B * P, K, 2 * C0), F32),
            jax.ShapeDtypeStruct((8, 2 * C0), F32),
        ],
        scratch_shapes=[pltpu.VMEM((8, 2 * C0), F32)],
    )(y2, stats2, g2, be2, w3, b3)

    out = pl.pallas_call(
        _final_body,
        grid=(GRID,),
        in_specs=[
            _tile_spec(2 * C0), _full_spec(8, 2 * C0),
            _full_spec(1, 2 * C0), _full_spec(1, 2 * C0),
        ],
        out_specs=pl.BlockSpec((QT, 2 * C0), lambda t: (t, 0)),
        out_shape=jax.ShapeDtypeStruct((B * P, 2 * C0), F32),
    )(y3, stats3, g3, be3)
    return out




@jax.jit
def kernel(xyz, points, W1, b1, g1, be1, W2, b2, g2, be2, W3, b3, g3, be3):
    f0 = jax.random.randint(jax.random.key(1), (B,), 0, N, dtype=I32).reshape(B, 1)
    xyz_t = jnp.transpose(xyz, (2, 0, 1))
    nx, ny, nz = _fps(xyz_t, f0)

    xyz_bt = jnp.transpose(xyz, (0, 2, 1))
    idxg = _knn(
        xyz_bt,
        nx.reshape(B, P, 1),
        ny.reshape(B, P, 1),
        nz.reshape(B, P, 1),
    )

    m = jnp.concatenate([points, xyz], axis=-1).reshape(B * N, C0 + 3)
    wcat = jnp.concatenate([W1[3:, :], W1[:3, :]], axis=0)
    table = _table(m, wcat)

    g3d = _gather_sc(table, idxg.reshape(NTOT)).reshape(B * P, K, C0)

    new_xyz = jnp.stack([nx, ny, nz], axis=-1)
    out = _mlp(
        g3d,
        new_xyz.reshape(B * P, 3),
        W1[:3, :],
        b1.reshape(1, C0), g1.reshape(1, C0), be1.reshape(1, C0),
        W2, b2.reshape(1, C0), g2.reshape(1, C0), be2.reshape(1, C0),
        W3, b3.reshape(1, 2 * C0), g3.reshape(1, 2 * C0), be3.reshape(1, 2 * C0),
    )
    return (new_xyz, out.reshape(B, P, 2 * C0))

# --- scband reference (transcript-rebuilt; emitter-appended) ---
"""Pipeline reference for scband-point-net-set-abstraction-59717225284091 (READ-ONLY COPY).

The authoritative reference and input builder live on the scoring server;
editing this copy changes nothing except your own understanding.
"""

import jax, jax.numpy as jnp
import numpy as np

NPOINT = 512
K = 32

def farthest_point_sample(xyz, npoint):
    B, N, _ = xyz.shape
    distance = jnp.full((B, N), 1e10, dtype=xyz.dtype)
    farthest = jax.random.randint(jax.random.key(1), (B,), 0, N, dtype=jnp.int32)
    centroids = jnp.zeros((B, npoint), dtype=jnp.int32)
    def body(i, carry):
        centroids, distance, farthest = carry
        centroids = centroids.at[:, i].set(farthest)
        centroid = jnp.take_along_axis(xyz, farthest[:, None, None], axis=1)
        dist = jnp.sum((xyz - centroid) ** 2, -1)
        distance = jnp.minimum(distance, dist)
        farthest = jnp.argmax(distance, -1).astype(jnp.int32)
        return (centroids, distance, farthest)
    centroids, _, _ = jax.lax.fori_loop(0, npoint, body, (centroids, distance, farthest))
    return centroids

def index_points(points, idx):
    return jax.vmap(lambda p, i: p[i])(points, idx)

def square_distance(src, dst):
    return jnp.sum((src[:, :, None, :] - dst[:, None, :, :]) ** 2, axis=-1)

def knn_point(k, xyz, new_xyz):
    dist = square_distance(new_xyz, xyz)
    _, idx = jax.lax.top_k(-dist, k)
    return idx

def bn_relu(x, g, b):
    mean = jnp.mean(x, axis=(0, 1, 2), keepdims=True)
    var = jnp.var(x, axis=(0, 1, 2), keepdims=True)
    xh = (x - mean) / jnp.sqrt(var + 1e-5)
    return jax.nn.relu(xh * g + b)

def setup_inputs(seed: int = 0):
    key = jax.random.key(seed)
    ks = jax.random.split(key, 8)
    xyz = jax.random.normal(ks[0], (8, 2048, 3), dtype=jnp.float32)
    points = jax.random.normal(ks[1], (8, 2048, 128), dtype=jnp.float32)
    c_in = 128 + 3
    W1 = jax.random.normal(ks[2], (c_in, 128), dtype=jnp.float32) * (1.0 / np.sqrt(c_in))
    b1 = jnp.zeros((128,), jnp.float32)
    g1 = jnp.ones((128,), jnp.float32)
    be1 = jnp.zeros((128,), jnp.float32)
    W2 = jax.random.normal(ks[3], (128, 128), dtype=jnp.float32) * (1.0 / np.sqrt(128))
    b2 = jnp.zeros((128,), jnp.float32)
    g2 = jnp.ones((128,), jnp.float32)
    be2 = jnp.zeros((128,), jnp.float32)
    W3 = jax.random.normal(ks[4], (128, 256), dtype=jnp.float32) * (1.0 / np.sqrt(128))
    b3 = jnp.zeros((256,), jnp.float32)
    g3 = jnp.ones((256,), jnp.float32)
    be3 = jnp.zeros((256,), jnp.float32)
    return {"xyz": xyz, "points": points, "W1": W1, "b1": b1, "g1": g1, "be1": be1,
            "W2": W2, "b2": b2, "g2": g2, "be2": be2, "W3": W3, "b3": b3, "g3": g3, "be3": be3}

def reference(xyz, points, W1, b1, g1, be1, W2, b2, g2, be2, W3, b3, g3, be3):
    fps_idx = farthest_point_sample(xyz, NPOINT)
    new_xyz = index_points(xyz, fps_idx)
    idx = knn_point(K, xyz, new_xyz)
    grouped_xyz = index_points(xyz, idx)
    grouped_xyz_norm = grouped_xyz - new_xyz[:, :, None, :]
    grouped_points = index_points(points, idx)
    new_points = jnp.concatenate([grouped_xyz_norm, grouped_points], axis=-1)
    h = bn_relu(new_points @ W1 + b1, g1, be1)
    h = bn_relu(h @ W2 + b2, g2, be2)
    h = bn_relu(h @ W3 + b3, g3, be3)
    out = jnp.max(h, axis=2)
    return (new_xyz, out)

if __name__ == "__main__":
    import jax
    _d = setup_inputs()
    print(jax.jit(kernel)(*tuple(_d.values())))

</pallas_src>

<mosaic_0001>
#map = affine_map<(d0, d1) -> (0, 0)>
#map1 = affine_map<(d0, d1) -> (0)>
module attributes {stable_mosaic.version = 14 : i64} {
  func.func @_gather_sc_body(%arg0: i32, %arg1: i32, %arg2: memref<16384x128xf32, #tpu.memory_space<hbm>>, %arg3: memref<131072xi32, #tpu.memory_space<hbm>>, %arg4: memref<131072x128xf32, #tpu.memory_space<hbm>>, %arg5: memref<128xi32, #tpu.memory_space<vmem>>, %arg6: memref<128x128xf32, #tpu.memory_space<vmem>>, %arg7: memref<!tpu.dma_semaphore, #tpu.memory_space<semaphore_mem>>) attributes {dimension_semantics = [#tpu.dimension_semantics<core_parallel>, #tpu.dimension_semantics<subcore_parallel>], iteration_bounds = array<i64: 2, 16>, scalar_prefetch = 0 : i64, scratch_operands = 3 : i64, tpu.core_type = #tpu.core_type<sc_vector_subcore>, window_params = [{transform_indices = #map}, {transform_indices = #map1}, {transform_indices = #map}]} {
    %mul3A = arith.constant 2 : i32
    %mul3A_0 = arith.muli %arg1, %mul3A : i32
    %add3A = arith.addi %mul3A_0, %arg0 : i32
    %mul3A_1 = arith.constant 4096 : i32
    %mul3A_2 = arith.muli %add3A, %mul3A_1 : i32
    %scan3A = arith.constant 0 : i32
    %scan3A_3 = arith.constant 0 : i32
    %scan3A_4 = arith.constant 32 : i32
    %scan3A_5 = arith.addi %scan3A_3, %scan3A_4 : i32
    %scan3A_6 = arith.constant 1 : i32
    %scan3A_7 = scf.for %scan3A_9 = %scan3A_3 to %scan3A_5 step %scan3A_6 iter_args(%scan3A_10 = %scan3A) -> (i32)  : i32 {
      %mul3A_11 = arith.constant 128 : i32
      %mul3A_12 = arith.muli %scan3A_9, %mul3A_11 : i32
      %add3A_13 = arith.addi %mul3A_2, %mul3A_12 : i32
      "tpu.region"() ({
        %run_scoped3A = tpu.sem_alloc : memref<!tpu.dma_semaphore, #tpu.memory_space<semaphore_mem>>
        %dma_start3A_19 = tpu.memref_slice %arg3[%add3A_13] : memref<131072xi32, #tpu.memory_space<hbm>> -> memref<128xi32, #tpu.memory_space<hbm>>
        %dma_start3A_20 = tpu.memref_slice %arg3[%add3A_13] : memref<131072xi32, #tpu.memory_space<hbm>> -> memref<128xi32, #tpu.memory_space<hbm>>
        tpu.enqueue_dma source(%dma_start3A_20 : memref<128xi32, #tpu.memory_space<hbm>>) target(%arg5 : memref<128xi32, #tpu.memory_space<vmem>>) target_semaphore(%run_scoped3A : memref<!tpu.dma_semaphore, #tpu.memory_space<semaphore_mem>>)
        %dma_wait3A_21 = tpu.memref_slice %arg3[%add3A_13] : memref<131072xi32, #tpu.memory_space<hbm>> -> memref<128xi32, #tpu.memory_space<hbm>>
        %dma_wait3A_22 = tpu.memref_slice %arg3[%add3A_13] : memref<131072xi32, #tpu.memory_space<hbm>> -> memref<128xi32, #tpu.memory_space<hbm>>
        tpu.wait_dma2 semaphore(%run_scoped3A : memref<!tpu.dma_semaphore, #tpu.memory_space<semaphore_mem>>) src(%dma_wait3A_22 : memref<128xi32, #tpu.memory_space<hbm>>) dst(%arg5 : memref<128xi32, #tpu.memory_space<vmem>>)
        tpu.yield
      }) : () -> ()
      %dma_start3A = arith.constant 0 : i32
      %dma_start3A_14 = arith.constant 0 : i32
      %dma_start3A_15 = tpu.memref_slice %arg2[%dma_start3A, %dma_start3A_14] : memref<16384x128xf32, #tpu.memory_space<hbm>> -> memref<16384x128xf32, #tpu.memory_space<hbm>>
      tpu.enqueue_indirect_dma source(%dma_start3A_15 : memref<16384x128xf32, #tpu.memory_space<hbm>>) target(%arg6 : memref<128x128xf32, #tpu.memory_space<vmem>>) offsets(%arg5 : memref<128xi32, #tpu.memory_space<vmem>>) semaphore(%arg7 : memref<!tpu.dma_semaphore, #tpu.memory_space<semaphore_mem>>)
      %dma_wait3A = arith.constant 0 : i32
      %dma_wait3A_16 = arith.constant 0 : i32
      %dma_wait3A_17 = tpu.memref_slice %arg2[%dma_wait3A, %dma_wait3A_16] : memref<16384x128xf32, #tpu.memory_space<hbm>> -> memref<16384x128xf32, #tpu.memory_space<hbm>>
      tpu.wait_indirect_dma semaphore(%arg7 : memref<!tpu.dma_semaphore, #tpu.memory_space<semaphore_mem>>) src(%dma_wait3A_17 : memref<16384x128xf32, #tpu.memory_space<hbm>>) dst(%arg6 : memref<128x128xf32, #tpu.memory_space<vmem>>)
      "tpu.region"() ({
        %run_scoped3A = tpu.sem_alloc : memref<!tpu.dma_semaphore, #tpu.memory_space<semaphore_mem>>
        %dma_start3A_19 = arith.constant 0 : i32
        %dma_start3A_20 = tpu.memref_slice %arg4[%add3A_13, %dma_start3A_19] : memref<131072x128xf32, #tpu.memory_space<hbm>> -> memref<128x128xf32, #tpu.memory_space<hbm>>
        %dma_start3A_21 = arith.constant 0 : i32
        %dma_start3A_22 = tpu.memref_slice %arg4[%add3A_13, %dma_start3A_21] : memref<131072x128xf32, #tpu.memory_space<hbm>> -> memref<128x128xf32, #tpu.memory_space<hbm>>
        tpu.enqueue_dma source(%arg6 : memref<128x128xf32, #tpu.memory_space<vmem>>) target(%dma_start3A_22 : memref<128x128xf32, #tpu.memory_space<hbm>>) target_semaphore(%run_scoped3A : memref<!tpu.dma_semaphore, #tpu.memory_space<semaphore_mem>>)
        %dma_wait3A_23 = arith.constant 0 : i32
        %dma_wait3A_24 = tpu.memref_slice %arg4[%add3A_13, %dma_wait3A_23] : memref<131072x128xf32, #tpu.memory_space<hbm>> -> memref<128x128xf32, #tpu.memory_space<hbm>>
        %dma_wait3A_25 = arith.constant 0 : i32
        %dma_wait3A_26 = tpu.memref_slice %arg4[%add3A_13, %dma_wait3A_25] : memref<131072x128xf32, #tpu.memory_space<hbm>> -> memref<128x128xf32, #tpu.memory_space<hbm>>
        tpu.wait_dma2 semaphore(%run_scoped3A : memref<!tpu.dma_semaphore, #tpu.memory_space<semaphore_mem>>) src(%arg6 : memref<128x128xf32, #tpu.memory_space<vmem>>) dst(%dma_wait3A_26 : memref<128x128xf32, #tpu.memory_space<hbm>>)
        tpu.yield
      }) : () -> ()
      %scan3A_18 = arith.constant 0 : i32
      scf.yield %scan3A_18 : i32
    }
    %scan3A_8 = arith.constant 32 : i32
    return
  }
}

module attributes {stable_mosaic.version = 14 : i64} {
  func.func @_knn_body(%arg0: i32, %arg1: memref<1x3x2048xf32, #tpu.memory_space<vmem>>, %arg2: memref<1x512x1xf32, #tpu.memory_space<vmem>>, %arg3: memref<1x512x1xf32, #tpu.memory_space<vmem>>, %arg4: memref<1x512x1xf32, #tpu.memory_space<vmem>>, %arg5: memref<1x512x32xi32, #tpu.memory_space<vmem>>) attributes {dimension_semantics = [#tpu.dimension_semantics<arbitrary>], iteration_bounds = array<i64: 8>, scalar_prefetch = 0 : i64, scratch_operands = 0 : i64, tpu.core_type = #tpu.core_type<tc>, window_params = [{transform_indices = @transform_0, window_bounds = array<i64: 1, 3, 2048>}, {transform_indices = @transform_1, window_bounds = array<i64: 1, 512, 1>}, {transform_indices = @transform_2, window_bounds = array<i64: 1, 512, 1>}, {transform_indices = @transform_3, window_bounds = array<i64: 1, 512, 1>}, {transform_indices = @transform_4, window_bounds = array<i64: 1, 512, 32>}]} {
    %get3A = arith.constant 0 : index
    %get3A_0 = arith.constant 0 : index
    %get3A_1 = arith.constant 0 : index
    %get3A_2 = vector.load %arg1[%get3A, %get3A_0, %get3A_1] : memref<1x3x2048xf32, #tpu.memory_space<vmem>>, vector<1x1x2048xf32>
    %get3A_3 = vector.shape_cast %get3A_2 : vector<1x1x2048xf32> to vector<1x2048xf32>
    %get3A_4 = arith.constant 0 : index
    %get3A_5 = arith.constant 1 : index
    %get3A_6 = arith.constant 0 : index
    %get3A_7 = vector.load %arg1[%get3A_4, %get3A_5, %get3A_6] : memref<1x3x2048xf32, #tpu.memory_space<vmem>>, vector<1x1x2048xf32>
    %get3A_8 = vector.shape_cast %get3A_7 : vector<1x1x2048xf32> to vector<1x2048xf32>
    %get3A_9 = arith.constant 0 : index
    %get3A_10 = arith.constant 2 : index
    %get3A_11 = arith.constant 0 : index
    %get3A_12 = vector.load %arg1[%get3A_9, %get3A_10, %get3A_11] : memref<1x3x2048xf32, #tpu.memory_space<vmem>>, vector<1x1x2048xf32>
    %get3A_13 = vector.shape_cast %get3A_12 : vector<1x1x2048xf32> to vector<1x2048xf32>
    %get3A_14 = arith.constant 0 : index
    %get3A_15 = arith.constant 0 : index
    %get3A_16 = arith.constant 0 : index
    %get3A_17 = vector.load %arg2[%get3A_14, %get3A_15, %get3A_16] : memref<1x512x1xf32, #tpu.memory_space<vmem>>, vector<1x512x1xf32>
    %get3A_18 = vector.shape_cast %get3A_17 : vector<1x512x1xf32> to vector<512x1xf32>
    %get3A_19 = arith.constant 0 : index
    %get3A_20 = arith.constant 0 : index
    %get3A_21 = arith.constant 0 : index
    %get3A_22 = vector.load %arg3[%get3A_19, %get3A_20, %get3A_21] : memref<1x512x1xf32, #tpu.memory_space<vmem>>, vector<1x512x1xf32>
    %get3A_23 = vector.shape_cast %get3A_22 : vector<1x512x1xf32> to vector<512x1xf32>
    %get3A_24 = arith.constant 0 : index
    %get3A_25 = arith.constant 0 : index
    %get3A_26 = arith.constant 0 : index
    %get3A_27 = vector.load %arg4[%get3A_24, %get3A_25, %get3A_26] : memref<1x512x1xf32, #tpu.memory_space<vmem>>, vector<1x512x1xf32>
    %get3A_28 = vector.shape_cast %get3A_27 : vector<1x512x1xf32> to vector<512x1xf32>
    %sub3A = vector.broadcast %get3A_18 : vector<512x1xf32> to vector<512x2048xf32>
    %sub3A_29 = vector.broadcast %get3A_3 : vector<1x2048xf32> to vector<512x2048xf32>
    %sub3A_30 = arith.subf %sub3A, %sub3A_29 : vector<512x2048xf32>
    %integer_pow3A = arith.mulf %sub3A_30, %sub3A_30 : vector<512x2048xf32>
    %sub3A_31 = vector.broadcast %get3A_23 : vector<512x1xf32> to vector<512x2048xf32>
    %sub3A_32 = vector.broadcast %get3A_8 : vector<1x2048xf32> to vector<512x2048xf32>
    %sub3A_33 = arith.subf %sub3A_31, %sub3A_32 : vector<512x2048xf32>
    %integer_pow3A_34 = arith.mulf %sub3A_33, %sub3A_33 : vector<512x2048xf32>
    %add3A = arith.addf %integer_pow3A, %integer_pow3A_34 : vector<512x2048xf32>
    %sub3A_35 = vector.broadcast %get3A_28 : vector<512x1xf32> to vector<512x2048xf32>
    %sub3A_36 = vector.broadcast %get3A_13 : vector<1x2048xf32> to vector<512x2048xf32>
    %sub3A_37 = arith.subf %sub3A_35, %sub3A_36 : vector<512x2048xf32>
    %integer_pow3A_38 = arith.mulf %sub3A_37, %sub3A_37 : vector<512x2048xf32>
    %add3A_39 = arith.addf %add3A, %integer_pow3A_38 : vector<512x2048xf32>
    %iota3A = tpu.iota {dimensions = array<i32: 1>} : vector<512x2048xi32>
    %mul3A = arith.constant 2048 : i32
    %mul3A_40 = arith.muli %arg0, %mul3A : i32
    %reduce_min3A = arith.constant dense<0x7F800000> : vector<512xf32>
    %reduce_min3A_41 = vector.multi_reduction <minimumf>, %add3A_39, %reduce_min3A [1] : vector<512x2048xf32> to vector<512xf32>
    %broadcast_in_dim3A = vector.shape_cast %reduce_min3A_41 : vector<512xf32> to vector<512x1xf32>
    %eq3A = vector.broadcast %broadcast_in_dim3A : vector<512x1xf32> to vector<512x2048xf32>
    %eq3A_42 = arith.cmpf oeq, %add3A_39, %eq3A : vector<512x2048xf32>
    %jit3A = arith.constant 2048 : i32
    %broadcast_in_dim3A_43 = vector.broadcast %jit3A : i32 to vector<512x2048xi32>
    %select_n3A = arith.select %eq3A_42, %iota3A, %broadcast_in_dim3A_43 : vector<512x2048xi1>, vector<512x2048xi32>
    %reduce_min3A_44 = arith.constant dense<2147483647> : vector<512xi32>
    %reduce_min3A_45 = vector.multi_reduction <minsi>, %select_n3A, %reduce_min3A_44 [1] : vector<512x2048xi32> to vector<512xi32>
    %broadcast_in_dim3A_46 = vector.shape_cast %reduce_min3A_45 : vector<512xi32> to vector<512x1xi32>
    %add3A_47 = vector.broadcast %mul3A_40 : i32 to vector<512x1xi32>
    %add3A_48 = arith.addi %broadcast_in_dim3A_46, %add3A_47 : vector<512x1xi32>
    %swap3A = arith.constant 0 : index
    %swap3A_49 = arith.constant 0 : index
    %swap3A_50 = arith.constant 0 : index
    %swap3A_51 = vector.load %arg5[%swap3A, %swap3A_49, %swap3A_50] : memref<1x512x32xi32, #tpu.memory_space<vmem>>, vector<1x512x1xi32>
    %swap3A_52 = vector.shape_cast %swap3A_51 : vector<1x512x1xi32> to vector<512x1xi32>
    %swap3A_53 = vector.shape_cast %add3A_48 : vector<512x1xi32> to vector<1x512x1xi32>
    tpu.vector_store %arg5[%swap3A, %swap3A_49, %swap3A_50], %swap3A_53 {strides = array<i32>} : memref<1x512x32xi32, #tpu.memory_space<vmem>>, vector<1x512x1xi32>,
    %eq3A_54 = vector.broadcast %broadcast_in_dim3A_46 : vector<512x1xi32> to vector<512x2048xi32>
    %eq3A_55 = arith.cmpi eq, %iota3A, %eq3A_54 : vector<512x2048xi32>
    %jit3A_56 = arith.constant 0x7F800000 : f32
    %broadcast_in_dim3A_57 = vector.broadcast %jit3A_56 : f32 to vector<512x2048xf32>
    %select_n3A_58 = arith.select %eq3A_55, %broadcast_in_dim3A_57, %add3A_39 : vector<512x2048xi1>, vector<512x2048xf32>
    %reduce_min3A_59 = arith.constant dense<0x7F800000> : vector<512xf32>
    %reduce_min3A_60 = vector.multi_reduction <minimumf>, %select_n3A_58, %reduce_min3A_59 [1] : vector<512x2048xf32> to vector<512xf32>
    %broadcast_in_dim3A_61 = vector.shape_cast %reduce_min3A_60 : vector<512xf32> to vector<512x1xf32>
    %eq3A_62 = vector.broadcast %broadcast_in_dim3A_61 : vector<512x1xf32> to vector<512x2048xf32>
    %eq3A_63 = arith.cmpf oeq, %select_n3A_58, %eq3A_62 : vector<512x2048xf32>
    %jit3A_64 = arith.constant 2048 : i32
    %broadcast_in_dim3A_65 = vector.broadcast %jit3A_64 : i32 to vector<512x2048xi32>
    %select_n3A_66 = arith.select %eq3A_63, %iota3A, %broadcast_in_dim3A_65 : vector<512x2048xi1>, vector<512x2048xi32>
    %reduce_min3A_67 = arith.constant dense<2147483647> : vector<512xi32>
    %reduce_min3A_68 = vector.multi_reduction <minsi>, %select_n3A_66, %reduce_min3A_67 [1] : vector<512x2048xi32> to vector<512xi32>
    %broadcast_in_dim3A_69 = vector.shape_cast %reduce_min3A_68 : vector<512xi32> to vector<512x1xi32>
    %add3A_70 = vector.broadcast %mul3A_40 : i32 to vector<512x1xi32>
    %add3A_71 = arith.addi %broadcast_in_dim3A_69, %add3A_70 : vector<512x1xi32>
    %swap3A_72 = arith.constant 0 : index
    %swap3A_73 = arith.constant 0 : index
    %swap3A_74 = arith.constant 1 : index
    %swap3A_75 = vector.load %arg5[%swap3A_72, %swap3A_73, %swap3A_74] : memref<1x512x32xi32, #tpu.memory_space<vmem>>, vector<1x512x1xi32>
    %swap3A_76 = vector.shape_cast %swap3A_75 : vector<1x512x1xi32> to vector<512x1xi32>
    %swap3A_77 = vector.shape_cast %add3A_71 : vector<512x1xi32> to vector<1x512x1xi32>
    tpu.vector_store %arg5[%swap3A_72, %swap3A_73, %swap3A_74], %swap3A_77 {strides = array<i32>} : memref<1x512x32xi32, #tpu.memory_space<vmem>>, vector<1x512x1xi32>,
    %eq3A_78 = vector.broadcast %broadcast_in_dim3A_69 : vector<512x1xi32> to vector<512x2048xi32>
    %eq3A_79 = arith.cmpi eq, %iota3A, %eq3A_78 : vector<512x2048xi32>
    %jit3A_80 = arith.constant 0x7F800000 : f32
    %broadcast_in_dim3A_81 = vector.broadcast %jit3A_80 : f32 to vector<512x2048xf32>
    %select_n3A_82 = arith.select %eq3A_79, %broadcast_in_dim3A_81, %select_n3A_58 : vector<512x2048xi1>, vector<512x2048xf32>
    %reduce_min3A_83 = arith.constant dense<0x7F800000> : vector<512xf32>
    %reduce_min3A_84 = vector.multi_reduction <minimumf>, %select_n3A_82, %reduce_min3A_83 [1] : vector<512x2048xf32> to vector<512xf32>
    %broadcast_in_dim3A_85 = vector.shape_cast %reduce_min3A_84 : vector<512xf32> to vector<512x1xf32>
    %eq3A_86 = vector.broadcast %broadcast_in_dim3A_85 : vector<512x1xf32> to vector<512x2048xf32>
    %eq3A_87 = arith.cmpf oeq, %select_n3A_82, %eq3A_86 : vector<512x2048xf32>
    %jit3A_88 = arith.constant 2048 : i32
    %broadcast_in_dim3A_89 = vector.broadcast %jit3A_88 : i32 to vector<512x2048xi32>
    %select_n3A_90 = arith.select %eq3A_87, %iota3A, %broadcast_in_dim3A_89 : vector<512x2048xi1>, vector<512x2048xi32>
    %reduce_min3A_91 = arith.constant dense<2147483647> : vector<512xi32>
    %reduce_min3A_92 = vector.multi_reduction <minsi>, %select_n3A_90, %reduce_min3A_91 [1] : vector<512x2048xi32> to vector<512xi32>
    %broadcast_in_dim3A_93 = vector.shape_cast %reduce_min3A_92 : vector<512xi32> to vector<512x1xi32>
    %add3A_94 = vector.broadcast %mul3A_40 : i32 to vector<512x1xi32>
    %add3A_95 = arith.addi %broadcast_in_dim3A_93, %add3A_94 : vector<512x1xi32>
    %swap3A_96 = arith.constant 0 : index
    %swap3A_97 = arith.constant 0 : index
    %swap3A_98 = arith.constant 2 : index
    %swap3A_99 = vector.load %arg5[%swap3A_96, %swap3A_97, %swap3A_98] : memref<1x512x32xi32, #tpu.memory_space<vmem>>, vector<1x512x1xi32>
    %swap3A_100 = vector.shape_cast %swap3A_99 : vector<1x512x1xi32> to vector<512x1xi32>
    %swap3A_101 = vector.shape_cast %add3A_95 : vector<512x1xi32> to vector<1x512x1xi32>
    tpu.vector_store %arg5[%swap3A_96, %swap3A_97, %swap3A_98], %swap3A_101 {strides = array<i32>} : memref<1x512x32xi32, #tpu.memory_space<vmem>>, vector<1x512x1xi32>,
    %eq3A_102 = vector.broadcast %broadcast_in_dim3A_93 : vector<512x1xi32> to vector<512x2048xi32>
    %eq3A_103 = arith.cmpi eq, %iota3A, %eq3A_102 : vector<512x2048xi32>
    %jit3A_104 = arith.constant 0x7F800000 : f32
    %broadcast_in_dim3A_105 = vector.broadcast %jit3A_104 : f32 to vector<512x2048xf32>
    %select_n3A_106 = arith.select %eq3A_103, %broadcast_in_dim3A_105, %select_n3A_82 : vector<512x2048xi1>, vector<512x2048xf32>
    %reduce_min3A_107 = arith.constant dense<0x7F800000> : vector<512xf32>
    %reduce_min3A_108 = vector.multi_reduction <minimumf>, %select_n3A_106, %reduce_min3A_107 [1] : vector<512x2048xf32> to vector<512xf32>
    %broadcast_in_dim3A_109 = vector.shape_cast %reduce_min3A_108 : vector<512xf32> to vector<512x1xf32>
    %eq3A_110 = vector.broadcast %broadcast_in_dim3A_109 : vector<512x1xf32> to vector<512x2048xf32>
    %eq3A_111 = arith.cmpf oeq, %select_n3A_106, %eq3A_110 : vector<512x2048xf32>
    %jit3A_112 = arith.constant 2048 : i32
    %broadcast_in_dim3A_113 = vector.broadcast %jit3A_112 : i32 to vector<512x2048xi32>
    %select_n3A_114 = arith.select %eq3A_111, %iota3A, %broadcast_in_dim3A_113 : vector<512x2048xi1>, vector<512x2048xi32>
    %reduce_min3A_115 = arith.constant dense<2147483647> : vector<512xi32>
    %reduce_min3A_116 = vector.multi_reduction <minsi>, %select_n3A_114, %reduce_min3A_115 [1] : vector<512x2048xi32> to vector<512xi32>
    %broadcast_in_dim3A_117 = vector.shape_cast %reduce_min3A_116 : vector<512xi32> to vector<512x1xi32>
    %add3A_118 = vector.broadcast %mul3A_40 : i32 to vector<512x1xi32>
    %add3A_119 = arith.addi %broadcast_in_dim3A_117, %add3A_118 : vector<512x1xi32>
    %swap3A_120 = arith.constant 0 : index
    %swap3A_121 = arith.constant 0 : index
    %swap3A_122 = arith.constant 3 : index
    %swap3A_123 = vector.load %arg5[%swap3A_120, %swap3A_121, %swap3A_122] : memref<1x512x32xi32, #tpu.memory_space<vmem>>, vector<1x512x1xi32>
    %swap3A_124 = vector.shape_cast %swap3A_123 : vector<1x512x1xi32> to vector<512x1xi32>
    %swap3A_125 = vector.shape_cast %add3A_119 : vector<512x1xi32> to vector<1x512x1xi32>
    tpu.vector_store %arg5[%swap3A_120, %swap3A_121, %swap3A_122], %swap3A_125 {strides = array<i32>} : memref<1x512x32xi32, #tpu.memory_space<vmem>>, vector<1x512x1xi32>,
    %eq3A_126 = vector.broadcast %broadcast_in_dim3A_117 : vector<512x1xi32> to vector<512x2048xi32>
    %eq3A_127 = arith.cmpi eq, %iota3A, %eq3A_126 : vector<512x2048xi32>
    %jit3A_128 = arith.constant 0x7F800000 : f32
    %broadcast_in_dim3A_129 = vector.broadcast %jit3A_128 : f32 to vector<512x2048xf32>
    %select_n3A_130 = arith.select %eq3A_127, %broadcast_in_dim3A_129, %select_n3A_106 : vector<512x2048xi1>, vector<512x2048xf32>
    %reduce_min3A_131 = arith.constant dense<0x7F800000> : vector<512xf32>
    %reduce_min3A_132 = vector.multi_reduction <minimumf>, %select_n3A_130, %reduce_min3A_131 [1] : vector<512x2048xf32> to vector<512xf32>
    %broadcast_in_dim3A_133 = vector.shape_cast %reduce_min3A_132 : vector<512xf32> to vector<512x1xf32>
    %eq3A_134 = vector.broadcast %broadcast_in_dim3A_133 : vector<512x1xf32> to vector<512x2048xf32>
    %eq3A_135 = arith.cmpf oeq, %select_n3A_130, %eq3A_134 : vector<512x2048xf32>
    %jit3A_136 = arith.constant 2048 : i32
    %broadcast_in_dim3A_137 = vector.broadcast %jit3A_136 : i32 to vector<512x2048xi32>
    %select_n3A_138 = arith.select %eq3A_135, %iota3A, %broadcast_in_dim3A_137 : vector<512x2048xi1>, vector<512x2048xi32>
    %reduce_min3A_139 = arith.constant dense<2147483647> : vector<512xi32>
    %reduce_min3A_140 = vector.multi_reduction <minsi>, %select_n3A_138, %reduce_min3A_139 [1] : vector<512x2048xi32> to vector<512xi32>
    %broadcast_in_dim3A_141 = vector.shape_cast %reduce_min3A_140 : vector<512xi32> to vector<512x1xi32>
    %add3A_142 = vector.broadcast %mul3A_40 : i32 to vector<512x1xi32>
    %add3A_143 = arith.addi %broadcast_in_dim3A_141, %add3A_142 : vector<512x1xi32>
    %swap3A_144 = arith.constant 0 : index
    %swap3A_145 = arith.constant 0 : index
    %swap3A_146 = arith.constant 4 : index
    %swap3A_147 = vector.load %arg5[%swap3A_144, %swap3A_145, %swap3A_146] : memref<1x512x32xi32, #tpu.memory_space<vmem>>, vector<1x512x1xi32>
    %swap3A_148 = vector.shape_cast %swap3A_147 : vector<1x512x1xi32> to vector<512x1xi32>
    %swap3A_149 = vector.shape_cast %add3A_143 : vector<512x1xi32> to vector<1x512x1xi32>
    tpu.vector_store %arg5[%swap3A_144, %swap3A_145, %swap3A_146], %swap3A_149 {strides = array<i32>} : memref<1x512x32xi32, #tpu.memory_space<vmem>>, vector<1x512x1xi32>,
    %eq3A_150 = vector.broadcast %broadcast_in_dim3A_141 : vector<512x1xi32> to vector<512x2048xi32>
    %eq3A_151 = arith.cmpi eq, %iota3A, %eq3A_150 : vector<512x2048xi32>
    %jit3A_152 = arith.constant 0x7F800000 : f32
    %broadcast_in_dim3A_153 = vector.broadcast %jit3A_152 : f32 to vector<512x2048xf32>
    %select_n3A_154 = arith.select %eq3A_151, %broadcast_in_dim3A_153, %select_n3A_130 : vector<512x2048xi1>, vector<512x2048xf32>
    %reduce_min3A_155 = arith.constant dense<0x7F800000> : vector<512xf32>
    %reduce_min3A_156 = vector.multi_reduction <minimumf>, %select_n3A_154, %reduce_min3A_155 [1] : vector<512x2048xf32> to vector<512xf32>
    %broadcast_in_dim3A_157 = vector.shape_cast %reduce_min3A_156 : vector<512xf32> to vector<512x1xf32>
    %eq3A_158 = vector.broadcast %broadcast_in_dim3A_157 : vector<512x1xf32> to vector<512x2048xf32>
    %eq3A_159 = arith.cmpf oeq, %select_n3A_154, %eq3A_158 : vector<512x2048xf32>
    %jit3A_160 = arith.constant 2048 : i32
    %broadcast_in_dim3A_161 = vector.broadcast %jit3A_160 : i32 to vector<512x2048xi32>
    %select_n3A_162 = arith.select %eq3A_159, %iota3A, %broadcast_in_dim3A_161 : vector<512x2048xi1>, vector<512x2048xi32>
    %reduce_min3A_163 = arith.constant dense<2147483647> : vector<512xi32>
    %reduce_min3A_164 = vector.multi_reduction <minsi>, %select_n3A_162, %reduce_min3A_163 [1] : vector<512x2048xi32> to vector<512xi32>
    %broadcast_in_dim3A_165 = vector.shape_cast %reduce_min3A_164 : vector<512xi32> to vector<512x1xi32>
    %add3A_166 = vector.broadcast %mul3A_40 : i32 to vector<512x1xi32>
    %add3A_167 = arith.addi %broadcast_in_dim3A_165, %add3A_166 : vector<512x1xi32>
    %swap3A_168 = arith.constant 0 : index
    %swap3A_169 = arith.constant 0 : index
    %swap3A_170 = arith.constant 5 : index
    %swap3A_171 = vector.load %arg5[%swap3A_168, %swap3A_169, %swap3A_170] : memref<1x512x32xi32, #tpu.memory_space<vmem>>, vector<1x512x1xi32>
    %swap3A_172 = vector.shape_cast %swap3A_171 : vector<1x512x1xi32> to vector<512x1xi32>
    %swap3A_173 = vector.shape_cast %add3A_167 : vector<512x1xi32> to vector<1x512x1xi32>
    tpu.vector_store %arg5[%swap3A_168, %swap3A_169, %swap3A_170], %swap3A_173 {strides = array<i32>} : memref<1x512x32xi32, #tpu.memory_space<vmem>>, vector<1x512x1xi32>,
    %eq3A_174 = vector.broadcast %broadcast_in_dim3A_165 : vector<512x1xi32> to vector<512x2048xi32>
    %eq3A_175 = arith.cmpi eq, %iota3A, %eq3A_174 : vector<512x2048xi32>
    %jit3A_176 = arith.constant 0x7F800000 : f32
    %broadcast_in_dim3A_177 = vector.broadcast %jit3A_176 : f32 to vector<512x2048xf32>
    %select_n3A_178 = arith.select %eq3A_175, %broadcast_in_dim3A_177, %select_n3A_154 : vector<512x2048xi1>, vector<512x2048xf32>
    %reduce_min3A_179 = arith.constant dense<0x7F800000> : vector<512xf32>
    %reduce_min3A_180 = vector.multi_reduction <minimumf>, %select_n3A_178, %reduce_min3A_179 [1] : vector<512x2048xf32> to vector<512xf32>
    %broadcast_in_dim3A_181 = vector.shape_cast %reduce_min3A_180 : vector<512xf32> to vector<512x1xf32>
    %eq3A_182 = vector.broadcast %broadcast_in_dim3A_181 : vector<512x1xf32> to vector<512x2048xf32>
    %eq3A_183 = arith.cmpf oeq, %select_n3A_178, %eq3A_182 : vector<512x2048xf32>
    %jit3A_184 = arith.constant 2048 : i32
    %broadcast_in_dim3A_185 = vector.broadcast %jit3A_184 : i32 to vector<512x2048xi32>
    %select_n3A_186 = arith.select %eq3A_183, %iota3A, %broadcast_in_dim3A_185 : vector<512x2048xi1>, vector<512x2048xi32>
    %reduce_min3A_187 = arith.constant dense<2147483647> : vector<512xi32>
    %reduce_min3A_188 = vector.multi_reduction <minsi>, %select_n3A_186, %reduce_min3A_187 [1] : vector<512x2048xi32> to vector<512xi32>
    %broadcast_in_dim3A_189 = vector.shape_cast %reduce_min3A_188 : vector<512xi32> to vector<512x1xi32>
    %add3A_190 = vector.broadcast %mul3A_40 : i32 to vector<512x1xi32>
    %add3A_191 = arith.addi %broadcast_in_dim3A_189, %add3A_190 : vector<512x1xi32>
    %swap3A_192 = arith.constant 0 : index
    %swap3A_193 = arith.constant 0 : index
    %swap3A_194 = arith.constant 6 : index
    %swap3A_195 = vector.load %arg5[%swap3A_192, %swap3A_193, %swap3A_194] : memref<1x512x32xi32, #tpu.memory_space<vmem>>, vector<1x512x1xi32>
    %swap3A_196 = vector.shape_cast %swap3A_195 : vector<1x512x1xi32> to vector<512x1xi32>
    %swap3A_197 = vector.shape_cast %add3A_191 : vector<512x1xi32> to vector<1x512x1xi32>
    tpu.vector_store %arg5[%swap3A_192, %swap3A_193, %swap3A_194], %swap3A_197 {strides = array<i32>} : memref<1x512x32xi32, #tpu.memory_space<vmem>>, vector<1x512x1xi32>,
    %eq3A_198 = vector.broadcast %broadcast_in_dim3A_189 : vector<512x1xi32> to vector<512x2048xi32>
    %eq3A_199 = arith.cmpi eq, %iota3A, %eq3A_198 : vector<512x2048xi32>
    %jit3A_200 = arith.constant 0x7F800000 : f32
    %broadcast_in_dim3A_201 = vector.broadcast %jit3A_200 : f32 to vector<512x2048xf32>
    %select_n3A_202 = arith.select %eq3A_199, %broadcast_in_dim3A_201, %select_n3A_178 : vector<512x2048xi1>, vector<512x2048xf32>
    %reduce_min3A_203 = arith.constant dense<0x7F800000> : vector<512xf32>
    %reduce_min3A_204 = vector.multi_reduction <minimumf>, %select_n3A_202, %reduce_min3A_203 [1] : vector<512x2048xf32> to vector<512xf32>
    %broadcast_in_dim3A_205 = vector.shape_cast %reduce_min3A_204 : vector<512xf32> to vector<512x1xf32>
    %eq3A_206 = vector.broadcast %broadcast_in_dim3A_205 : vector<512x1xf32> to vector<512x2048xf32>
    %eq3A_207 = arith.cmpf oeq, %select_n3A_202, %eq3A_206 : vector<512x2048xf32>
    %jit3A_208 = arith.constant 2048 : i32
    %broadcast_in_dim3A_209 = vector.broadcast %jit3A_208 : i32 to vector<512x2048xi32>
    %select_n3A_210 = arith.select %eq3A_207, %iota3A, %broadcast_in_dim3A_209 : vector<512x2048xi1>, vector<512x2048xi32>
    %reduce_min3A_211 = arith.constant dense<2147483647> : vector<512xi32>
    %reduce_min3A_212 = vector.multi_reduction <minsi>, %select_n3A_210, %reduce_min3A_211 [1] : vector<512x2048xi32> to vector<512xi32>
    %broadcast_in_dim3A_213 = vector.shape_cast %reduce_min3A_212 : vector<512xi32> to vector<512x1xi32>
    %add3A_214 = vector.broadcast %mul3A_40 : i32 to vector<512x1xi32>
    %add3A_215 = arith.addi %broadcast_in_dim3A_213, %add3A_214 : vector<512x1xi32>
    %swap3A_216 = arith.constant 0 : index
    %swap3A_217 = arith.constant 0 : index
    %swap3A_218 = arith.constant 7 : index
    %swap3A_219 = vector.load %arg5[%swap3A_216, %swap3A_217, %swap3A_218] : memref<1x512x32xi32, #tpu.memory_space<vmem>>, vector<1x512x1xi32>
    %swap3A_220 = vector.shape_cast %swap3A_219 : vector<1x512x1xi32> to vector<512x1xi32>
    %swap3A_221 = vector.shape_cast %add3A_215 : vector<512x1xi32> to vector<1x512x1xi32>
    tpu.vector_store %arg5[%swap3A_216, %swap3A_217, %swap3A_218], %swap3A_221 {strides = array<i32>} : memref<1x512x32xi32, #tpu.memory_space<vmem>>, vector<1x512x1xi32>,
    %eq3A_222 = vector.broadcast %broadcast_in_dim3A_213 : vector<512x1xi32> to vector<512x2048xi32>
    %eq3A_223 = arith.cmpi eq, %iota3A, %eq3A_222 : vector<512x2048xi32>
    %jit3A_224 = arith.constant 0x7F800000 : f32
    %broadcast_in_dim3A_225 = vector.broadcast %jit3A_224 : f32 to vector<512x2048xf32>
    %select_n3A_226 = arith.select %eq3A_223, %broadcast_in_dim3A_225, %select_n3A_202 : vector<512x2048xi1>, vector<512x2048xf32>
    %reduce_min3A_227 = arith.constant dense<0x7F800000> : vector<512xf32>
    %reduce_min3A_228 = vector.multi_reduction <minimumf>, %select_n3A_226, %reduce_min3A_227 [1] : vector<512x2048xf32> to vector<512xf32>
    %broadcast_in_dim3A_229 = vector.shape_cast %reduce_min3A_228 : vector<512xf32> to vector<512x1xf32>
    %eq3A_230 = vector.broadcast %broadcast_in_dim3A_229 : vector<512x1xf32> to vector<512x2048xf32>
    %eq3A_231 = arith.cmpf oeq, %select_n3A_226, %eq3A_230 : vector<512x2048xf32>
    %jit3A_232 = arith.constant 2048 : i32
    %broadcast_in_dim3A_233 = vector.broadcast %jit3A_232 : i32 to vector<512x2048xi32>
    %select_n3A_234 = arith.select %eq3A_231, %iota3A, %broadcast_in_dim3A_233 : vector<512x2048xi1>, vector<512x2048xi32>
    %reduce_min3A_235 = arith.constant dense<2147483647> : vector<512xi32>
    %reduce_min3A_236 = vector.multi_reduction <minsi>, %select_n3A_234, %reduce_min3A_235 [1] : vector<512x2048xi32> to vector<512xi32>
    %broadcast_in_dim3A_237 = vector.shape_cast %reduce_min3A_236 : vector<512xi32> to vector<512x1xi32>
    %add3A_238 = vector.broadcast %mul3A_40 : i32 to vector<512x1xi32>
    %add3A_239 = arith.addi %broadcast_in_dim3A_237, %add3A_238 : vector<512x1xi32>
    %swap3A_240 = arith.constant 0 : index
    %swap3A_241 = arith.constant 0 : index
    %swap3A_242 = arith.constant 8 : index
    %swap3A_243 = vector.load %arg5[%swap3A_240, %swap3A_241, %swap3A_242] : memref<1x512x32xi32, #tpu.memory_space<vmem>>, vector<1x512x1xi32>
    %swap3A_244 = vector.shape_cast %swap3A_243 : vector<1x512x1xi32> to vector<512x1xi32>
    %swap3A_245 = vector.shape_cast %add3A_239 : vector<512x1xi32> to vector<1x512x1xi32>
    tpu.vector_store %arg5[%swap3A_240, %swap3A_241, %swap3A_242], %swap3A_245 {strides = array<i32>} : memref<1x512x32xi32, #tpu.memory_space<vmem>>, vector<1x512x1xi32>,
    %eq3A_246 = vector.broadcast %broadcast_in_dim3A_237 : vector<512x1xi32> to vector<512x2048xi32>
    %eq3A_247 = arith.cmpi eq, %iota3A, %eq3A_246 : vector<512x2048xi32>
    %jit3A_248 = arith.constant 0x7F800000 : f32
    %broadcast_in_dim3A_249 = vector.broadcast %jit3A_248 : f32 to vector<512x2048xf32>
    %select_n3A_250 = arith.select %eq3A_247, %broadcast_in_dim3A_249, %select_n3A_226 : vector<512x2048xi1>, vector<512x2048xf32>
    %reduce_min3A_251 = arith.constant dense<0x7F800000> : vector<512xf32>
    %reduce_min3A_252 = vector.multi_reduction <minimumf>, %select_n3A_250, %reduce_min3A_251 [1] : vector<512x2048xf32> to vector<512xf32>
    %broadcast_in_dim3A_253 = vector.shape_cast %reduce_min3A_252 : vector<512xf32> to vector<512x1xf32>
    %eq3A_254 = vector.broadcast %broadcast_in_dim3A_253 : vector<512x1xf32> to vector<512x2048xf32>
    %eq3A_255 = arith.cmpf oeq, %select_n3A_250, %eq3A_254 : vector<512x2048xf32>
    %jit3A_256 = arith.constant 2048 : i32
    %broadcast_in_dim3A_257 = vector.broadcast %jit3A_256 : i32 to vector<512x2048xi32>
    %select_n3A_258 = arith.select %eq3A_255, %iota3A, %broadcast_in_dim3A_257 : vector<512x2048xi1>, vector<512x2048xi32>
    %reduce_min3A_259 = arith.constant dense<2147483647> : vector<512xi32>
    %reduce_min3A_260 = vector.multi_reduction <minsi>, %select_n3A_258, %reduce_min3A_259 [1] : vector<512x2048xi32> to vector<512xi32>
    %broadcast_in_dim3A_261 = vector.shape_cast %reduce_min3A_260 : vector<512xi32> to vector<512x1xi32>
    %add3A_262 = vector.broadcast %mul3A_40 : i32 to vector<512x1xi32>
    %add3A_263 = arith.addi %broadcast_in_dim3A_261, %add3A_262 : vector<512x1xi32>
    %swap3A_264 = arith.constant 0 : index
    %swap3A_265 = arith.constant 0 : index
    %swap3A_266 = arith.constant 9 : index
    %swap3A_267 = vector.load %arg5[%swap3A_264, %swap3A_265, %swap3A_266] : memref<1x512x32xi32, #tpu.memory_space<vmem>>, vector<1x512x1xi32>
    %swap3A_268 = vector.shape_cast %swap3A_267 : vector<1x512x1xi32> to vector<512x1xi32>
    %swap3A_269 = vector.shape_cast %add3A_263 : vector<512x1xi32> to vector<1x512x1xi32>
    tpu.vector_store %arg5[%swap3A_264, %swap3A_265, %swap3A_266], %swap3A_269 {strides = array<i32>} : memref<1x512x32xi32, #tpu.memory_space<vmem>>, vector<1x512x1xi32>,
    %eq3A_270 = vector.broadcast %broadcast_in_dim3A_261 : vector<512x1xi32> to vector<512x2048xi32>
    %eq3A_271 = arith.cmpi eq, %iota3A, %eq3A_270 : vector<512x2048xi32>
    %jit3A_272 = arith.constant 0x7F800000 : f32
    %broadcast_in_dim3A_273 = vector.broadcast %jit3A_272 : f32 to vector<512x2048xf32>
    %select_n3A_274 = arith.select %eq3A_271, %broadcast_in_dim3A_273, %select_n3A_250 : vector<512x2048xi1>, vector<512x2048xf32>
    %reduce_min3A_275 = arith.constant dense<0x7F800000> : vector<512xf32>
    %reduce_min3A_276 = vector.multi_reduction <minimumf>, %select_n3A_274, %reduce_min3A_275 [1] : vector<512x2048xf32> to vector<512xf32>
    %broadcast_in_dim3A_277 = vector.shape_cast %reduce_min3A_276 : vector<512xf32> to vector<512x1xf32>
    %eq3A_278 = vector.broadcast %broadcast_in_dim3A_277 : vector<512x1xf32> to vector<512x2048xf32>
    %eq3A_279 = arith.cmpf oeq, %select_n3A_274, %eq3A_278 : vector<512x2048xf32>
    %jit3A_280 = arith.constant 2048 : i32
    %broadcast_in_dim3A_281 = vector.broadcast %jit3A_280 : i32 to vector<512x2048xi32>
    %select_n3A_282 = arith.select %eq3A_279, %iota3A, %broadcast_in_dim3A_281 : vector<512x2048xi1>, vector<512x2048xi32>
    %reduce_min3A_283 = arith.constant dense<2147483647> : vector<512xi32>
    %reduce_min3A_284 = vector.multi_reduction <minsi>, %select_n3A_282, %reduce_min3A_283 [1] : vector<512x2048xi32> to vector<512xi32>
    %broadcast_in_dim3A_285 = vector.shape_cast %reduce_min3A_284 : vector<512xi32> to vector<512x1xi32>
    %add3A_286 = vector.broadcast %mul3A_40 : i32 to vector<512x1xi32>
    %add3A_287 = arith.addi %broadcast_in_dim3A_285, %add3A_286 : vector<512x1xi32>
    %swap3A_288 = arith.constant 0 : index
    %swap3A_289 = arith.constant 0 : index
    %swap3A_290 = arith.constant 10 : index
    %swap3A_291 = vector.load %arg5[%swap3A_288, %swap3A_289, %swap3A_290] : memref<1x512x32xi32, #tpu.memory_space<vmem>>, vector<1x512x1xi32>
    %swap3A_292 = vector.shape_cast %swap3A_291 : vector<1x512x1xi32> to vector<512x1xi32>
    %swap3A_293 = vector.shape_cast %add3A_287 : vector<512x1xi32> to vector<1x512x1xi32>
    tpu.vector_store %arg5[%swap3A_288, %swap3A_289, %swap3A_290], %swap3A_293 {strides = array<i32>} : memref<1x512x32xi32, #tpu.memory_space<vmem>>, vector<1x512x1xi32>,
    %eq3A_294 = vector.broadcast %broadcast_in_dim3A_285 : vector<512x1xi32> to vector<512x2048xi32>
    %eq3A_295 = arith.cmpi eq, %iota3A, %eq3A_294 : vector<512x2048xi32>
    %jit3A_296 = arith.constant 0x7F800000 : f32
    %broadcast_in_dim3A_297 = vector.broadcast %jit3A_296 : f32 to vector<512x2048xf32>
    %select_n3A_298 = arith.select %eq3A_295, %broadcast_in_dim3A_297, %select_n3A_274 : vector<512x2048xi1>, vector<512x2048xf32>
    %reduce_min3A_299 = arith.constant dense<0x7F800000> : vector<512xf32>
    %reduce_min3A_300 = vector.multi_reduction <minimumf>, %select_n3A_298, %reduce_min3A_299 [1] : vector<512x2048xf32> to vector<512xf32>
    %broadcast_in_dim3A_301 = vector.shape_cast %reduce_min3A_300 : vector<512xf32> to vector<512x1xf32>
    %eq3A_302 = vector.broadcast %broadcast_in_dim3A_301 : vector<512x1xf32> to vector<512x2048xf32>
    %eq3A_303 = arith.cmpf oeq, %select_n3A_298, %eq3A_302 : vector<512x2048xf32>
    %jit3A_304 = arith.constant 2048 : i32
    %broadcast_in_dim3A_305 = vector.broadcast %jit3A_304 : i32 to vector<512x2048xi32>
    %select_n3A_306 = arith.select %eq3A_303, %iota3A, %broadcast_in_dim3A_305 : vector<512x2048xi1>, vector<512x2048xi32>
    %reduce_min3A_307 = arith.constant dense<2147483647> : vector<512xi32>
    %reduce_min3A_308 = vector.multi_reduction <minsi>, %select_n3A_306, %reduce_min3A_307 [1] : vector<512x2048xi32> to vector<512xi32>
    %broadcast_in_dim3A_309 = vector.shape_cast %reduce_min3A_308 : vector<512xi32> to vector<512x1xi32>
    %add3A_310 = vector.broadcast %mul3A_40 : i32 to vector<512x1xi32>
    %add3A_311 = arith.addi %broadcast_in_dim3A_309, %add3A_310 : vector<512x1xi32>
    %swap3A_312 = arith.constant 0 : index
    %swap3A_313 = arith.constant 0 : index
    %swap3A_314 = arith.constant 11 : index
    %swap3A_315 = vector.load %arg5[%swap3A_312, %swap3A_313, %swap3A_314] : memref<1x512x32xi32, #tpu.memory_space<vmem>>, vector<1x512x1xi32>
    %swap3A_316 = vector.shape_cast %swap3A_315 : vector<1x512x1xi32> to vector<512x1xi32>
    %swap3A_317 = vector.shape_cast %add3A_311 : vector<512x1xi32> to vector<1x512x1xi32>
    tpu.vector_store %arg5[%swap3A_312, %swap3A_313, %swap3A_314], %swap3A_317 {strides = array<i32>} : memref<1x512x32xi32, #tpu.memory_space<vmem>>, vector<1x512x1xi32>,
    %eq3A_318 = vector.broadcast %broadcast_in_dim3A_309 : vector<512x1xi32> to vector<512x2048xi32>
    %eq3A_319 = arith.cmpi eq, %iota3A, %eq3A_318 : vector<512x2048xi32>
    %jit3A_320 = arith.constant 0x7F800000 : f32
    %broadcast_in_dim3A_321 = vector.broadcast %jit3A_320 : f32 to vector<512x2048xf32>
    %select_n3A_322 = arith.select %eq3A_319, %broadcast_in_dim3A_321, %select_n3A_298 : vector<512x2048xi1>, vector<512x2048xf32>
    %reduce_min3A_323 = arith.constant dense<0x7F800000> : vector<512xf32>
    %reduce_min3A_324 = vector.multi_reduction <minimumf>, %select_n3A_322, %reduce_min3A_323 [1] : vector<512x2048xf32> to vector<512xf32>
    %broadcast_in_dim3A_325 = vector.shape_cast %reduce_min3A_324 : vector<512xf32> to vector<512x1xf32>
    %eq3A_326 = vector.broadcast %broadcast_in_dim3A_325 : vector<512x1xf32> to vector<512x2048xf32>
    %eq3A_327 = arith.cmpf oeq, %select_n3A_322, %eq3A_326 : vector<512x2048xf32>
    %jit3A_328 = arith.constant 2048 : i32
    %broadcast_in_dim3A_329 = vector.broadcast %jit3A_328 : i32 to vector<512x2048xi32>
    %select_n3A_330 = arith.select %eq3A_327, %iota3A, %broadcast_in_dim3A_329 : vector<512x2048xi1>, vector<512x2048xi32>
    %reduce_min3A_331 = arith.constant dense<2147483647> : vector<512xi32>
    %reduce_min3A_332 = vector.multi_reduction <minsi>, %select_n3A_330, %reduce_min3A_331 [1] : vector<512x2048xi32> to vector<512xi32>
    %broadcast_in_dim3A_333 = vector.shape_cast %reduce_min3A_332 : vector<512xi32> to vector<512x1xi32>
    %add3A_334 = vector.broadcast %mul3A_40 : i32 to vector<512x1xi32>
    %add3A_335 = arith.addi %broadcast_in_dim3A_333, %add3A_334 : vector<512x1xi32>
    %swap3A_336 = arith.constant 0 : index
    %swap3A_337 = arith.constant 0 : index
    %swap3A_338 = arith.constant 12 : index
    %swap3A_339 = vector.load %arg5[%swap3A_336, %swap3A_337, %swap3A_338] : memref<1x512x32xi32, #tpu.memory_space<vmem>>, vector<1x512x1xi32>
    %swap3A_340 = vector.shape_cast %swap3A_339 : vector<1x512x1xi32> to vector<512x1xi32>
    %swap3A_341 = vector.shape_cast %add3A_335 : vector<512x1xi32> to vector<1x512x1xi32>
    tpu.vector_store %arg5[%swap3A_336, %swap3A_337, %swap3A_338], %swap3A_341 {strides = array<i32>} : memref<1x512x32xi32, #tpu.memory_space<vmem>>, vector<1x512x1xi32>,
    %eq3A_342 = vector.broadcast %broadcast_in_dim3A_333 : vector<512x1xi32> to vector<512x2048xi32>
    %eq3A_343 = arith.cmpi eq, %iota3A, %eq3A_342 : vector<512x2048xi32>
    %jit3A_344 = arith.constant 0x7F800000 : f32
    %broadcast_in_dim3A_345 = vector.broadcast %jit3A_344 : f32 to vector<512x2048xf32>
    %select_n3A_346 = arith.select %eq3A_343, %broadcast_in_dim3A_345, %select_n3A_322 : vector<512x2048xi1>, vector<512x2048xf32>
    %reduce_min3A_347 = arith.constant dense<0x7F800000> : vector<512xf32>
    %reduce_min3A_348 = vector.multi_reduction <minimumf>, %select_n3A_346, %reduce_min3A_347 [1] : vector<512x2048xf32> to vector<512xf32>
    %broadcast_in_dim3A_349 = vector.shape_cast %reduce_min3A_348 : vector<512xf32> to vector<512x1xf32>
    %eq3A_350 = vector.broadcast %broadcast_in_dim3A_349 : vector<512x1xf32> to vector<512x2048xf32>
    %eq3A_351 = arith.cmpf oeq, %select_n3A_346, %eq3A_350 : vector<512x2048xf32>
    %jit3A_352 = arith.constant 2048 : i32
    %broadcast_in_dim3A_353 = vector.broadcast %jit3A_352 : i32 to vector<512x2048xi32>
    %select_n3A_354 = arith.select %eq3A_351, %iota3A, %broadcast_in_dim3A_353 : vector<512x2048xi1>, vector<512x2048xi32>
    %reduce_min3A_355 = arith.constant dense<2147483647> : vector<512xi32>
    %reduce_min3A_356 = vector.multi_reduction <minsi>, %select_n3A_354, %reduce_min3A_355 [1] : vector<512x2048xi32> to vector<512xi32>
    %broadcast_in_dim3A_357 = vector.shape_cast %reduce_min3A_356 : vector<512xi32> to vector<512x1xi32>
    %add3A_358 = vector.broadcast %mul3A_40 : i32 to vector<512x1xi32>
    %add3A_359 = arith.addi %broadcast_in_dim3A_357, %add3A_358 : vector<512x1xi32>
    %swap3A_360 = arith.constant 0 : index
    %swap3A_361 = arith.constant 0 : index
    %swap3A_362 = arith.constant 13 : index
    %swap3A_363 = vector.load %arg5[%swap3A_360, %swap3A_361, %swap3A_362] : memref<1x512x32xi32, #tpu.memory_space<vmem>>, vector<1x512x1xi32>
    %swap3A_364 = vector.shape_cast %swap3A_363 : vector<1x512x1xi32> to vector<512x1xi32>
    %swap3A_365 = vector.shape_cast %add3A_359 : vector<512x1xi32> to vector<1x512x1xi32>
    tpu.vector_store %arg5[%swap3A_360, %swap3A_361, %swap3A_362], %swap3A_365 {strides = array<i32>} : memref<1x512x32xi32, #tpu.memory_space<vmem>>, vector<1x512x1xi32>,
    %eq3A_366 = vector.broadcast %broadcast_in_dim3A_357 : vector<512x1xi32> to vector<512x2048xi32>
    %eq3A_367 = arith.cmpi eq, %iota3A, %eq3A_366 : vector<512x2048xi32>
    %jit3A_368 = arith.constant 0x7F800000 : f32
    %broadcast_in_dim3A_369 = vector.broadcast %jit3A_368 : f32 to vector<512x2048xf32>
    %select_n3A_370 = arith.select %eq3A_367, %broadcast_in_dim3A_369, %select_n3A_346 : vector<512x2048xi1>, vector<512x2048xf32>
    %reduce_min3A_371 = arith.constant dense<0x7F800000> : vector<512xf32>
    %reduce_min3A_372 = vector.multi_reduction <minimumf>, %select_n3A_370, %reduce_min3A_371 [1] : vector<512x2048xf32> to vector<512xf32>
    %broadcast_in_dim3A_373 = vector.shape_cast %reduce_min3A_372 : vector<512xf32> to vector<512x1xf32>
    %eq3A_374 = vector.broadcast %broadcast_in_dim3A_373 : vector<512x1xf32> to vector<512x2048xf32>
    %eq3A_375 = arith.cmpf oeq, %select_n3A_370, %eq3A_374 : vector<512x2048xf32>
    %jit3A_376 = arith.constant 2048 : i32
    %broadcast_in_dim3A_377 = vector.broadcast %jit3A_376 : i32 to vector<512x2048xi32>
    %select_n3A_378 = arith.select %eq3A_375, %iota3A, %broadcast_in_dim3A_377 : vector<512x2048xi1>, vector<512x2048xi32>
    %reduce_min3A_379 = arith.constant dense<2147483647> : vector<512xi32>
    %reduce_min3A_380 = vector.multi_reduction <minsi>, %select_n3A_378, %reduce_min3A_379 [1] : vector<512x2048xi32> to vector<512xi32>
    %broadcast_in_dim3A_381 = vector.shape_cast %reduce_min3A_380 : vector<512xi32> to vector<512x1xi32>
    %add3A_382 = vector.broadcast %mul3A_40 : i32 to vector<512x1xi32>
    %add3A_383 = arith.addi %broadcast_in_dim3A_381, %add3A_382 : vector<512x1xi32>
    %swap3A_384 = arith.constant 0 : index
    %swap3A_385 = arith.constant 0 : index
    %swap3A_386 = arith.constant 14 : index
    %swap3A_387 = vector.load %arg5[%swap3A_384, %swap3A_385, %swap3A_386] : memref<1x512x32xi32, #tpu.memory_space<vmem>>, vector<1x512x1xi32>
    %swap3A_388 = vector.shape_cast %swap3A_387 : vector<1x512x1xi32> to vector<512x1xi32>
    %swap3A_389 = vector.shape_cast %add3A_383 : vector<512x1xi32> to vector<1x512x1xi32>
    tpu.vector_store %arg5[%swap3A_384, %swap3A_385, %swap3A_386], %swap3A_389 {strides = array<i32>} : memref<1x512x32xi32, #tpu.memory_space<vmem>>, vector<1x512x1xi32>,
    %eq3A_390 = vector.broadcast %broadcast_in_dim3A_381 : vector<512x1xi32> to vector<512x2048xi32>
    %eq3A_391 = arith.cmpi eq, %iota3A, %eq3A_390 : vector<512x2048xi32>
    %jit3A_392 = arith.constant 0x7F800000 : f32
    %broadcast_in_dim3A_393 = vector.broadcast %jit3A_392 : f32 to vector<512x2048xf32>
    %select_n3A_394 = arith.select %eq3A_391, %broadcast_in_dim3A_393, %select_n3A_370 : vector<512x2048xi1>, vector<512x2048xf32>
    %reduce_min3A_395 = arith.constant dense<0x7F800000> : vector<512xf32>
    %reduce_min3A_396 = vector.multi_reduction <minimumf>, %select_n3A_394, %reduce_min3A_395 [1] : vector<512x2048xf32> to vector<512xf32>
    %broadcast_in_dim3A_397 = vector.shape_cast %reduce_min3A_396 : vector<512xf32> to vector<512x1xf32>
    %eq3A_398 = vector.broadcast %broadcast_in_dim3A_397 : vector<512x1xf32> to vector<512x2048xf32>
    %eq3A_399 = arith.cmpf oeq, %select_n3A_394, %eq3A_398 : vector<512x2048xf32>
    %jit3A_400 = arith.constant 2048 : i32
    %broadcast_in_dim3A_401 = vector.broadcast %jit3A_400 : i32 to vector<512x2048xi32>
    %select_n3A_402 = arith.select %eq3A_399, %iota3A, %broadcast_in_dim3A_401 : vector<512x2048xi1>, vector<512x2048xi32>
    %reduce_min3A_403 = arith.constant dense<2147483647> : vector<512xi32>
    %reduce_min3A_404 = vector.multi_reduction <minsi>, %select_n3A_402, %reduce_min3A_403 [1] : vector<512x2048xi32> to vector<512xi32>
    %broadcast_in_dim3A_405 = vector.shape_cast %reduce_min3A_404 : vector<512xi32> to vector<512x1xi32>
    %add3A_406 = vector.broadcast %mul3A_40 : i32 to vector<512x1xi32>
    %add3A_407 = arith.addi %broadcast_in_dim3A_405, %add3A_406 : vector<512x1xi32>
    %swap3A_408 = arith.constant 0 : index
    %swap3A_409 = arith.constant 0 : index
    %swap3A_410 = arith.constant 15 : index
    %swap3A_411 = vector.load %arg5[%swap3A_408, %swap3A_409, %swap3A_410] : memref<1x512x32xi32, #tpu.memory_space<vmem>>, vector<1x512x1xi32>
    %swap3A_412 = vector.shape_cast %swap3A_411 : vector<1x512x1xi32> to vector<512x1xi32>
    %swap3A_413 = vector.shape_cast %add3A_407 : vector<512x1xi32> to vector<1x512x1xi32>
    tpu.vector_store %arg5[%swap3A_408, %swap3A_409, %swap3A_410], %swap3A_413 {strides = array<i32>} : memref<1x512x32xi32, #tpu.memory_space<vmem>>, vector<1x512x1xi32>,
    %eq3A_414 = vector.broadcast %broadcast_in_dim3A_405 : vector<512x1xi32> to vector<512x2048xi32>
    %eq3A_415 = arith.cmpi eq, %iota3A, %eq3A_414 : vector<512x2048xi32>
    %jit3A_416 = arith.constant 0x7F800000 : f32
    %broadcast_in_dim3A_417 = vector.broadcast %jit3A_416 : f32 to vector<512x2048xf32>
    %select_n3A_418 = arith.select %eq3A_415, %broadcast_in_dim3A_417, %select_n3A_394 : vector<512x2048xi1>, vector<512x2048xf32>
    %reduce_min3A_419 = arith.constant dense<0x7F800000> : vector<512xf32>
    %reduce_min3A_420 = vector.multi_reduction <minimumf>, %select_n3A_418, %reduce_min3A_419 [1] : vector<512x2048xf32> to vector<512xf32>
    %broadcast_in_dim3A_421 = vector.shape_cast %reduce_min3A_420 : vector<512xf32> to vector<512x1xf32>
    %eq3A_422 = vector.broadcast %broadcast_in_dim3A_421 : vector<512x1xf32> to vector<512x2048xf32>
    %eq3A_423 = arith.cmpf oeq, %select_n3A_418, %eq3A_422 : vector<512x2048xf32>
    %jit3A_424 = arith.constant 2048 : i32
    %broadcast_in_dim3A_425 = vector.broadcast %jit3A_424 : i32 to vector<512x2048xi32>
    %select_n3A_426 = arith.select %eq3A_423, %iota3A, %broadcast_in_dim3A_425 : vector<512x2048xi1>, vector<512x2048xi32>
    %reduce_min3A_427 = arith.constant dense<2147483647> : vector<512xi32>
    %reduce_min3A_428 = vector.multi_reduction <minsi>, %select_n3A_426, %reduce_min3A_427 [1] : vector<512x2048xi32> to vector<512xi32>
    %broadcast_in_dim3A_429 = vector.shape_cast %reduce_min3A_428 : vector<512xi32> to vector<512x1xi32>
    %add3A_430 = vector.broadcast %mul3A_40 : i32 to vector<512x1xi32>
    %add3A_431 = arith.addi %broadcast_in_dim3A_429, %add3A_430 : vector<512x1xi32>
    %swap3A_432 = arith.constant 0 : index
    %swap3A_433 = arith.constant 0 : index
    %swap3A_434 = arith.constant 16 : index
    %swap3A_435 = vector.load %arg5[%swap3A_432, %swap3A_433, %swap3A_434] : memref<1x512x32xi32, #tpu.memory_space<vmem>>, vector<1x512x1xi32>
    %swap3A_436 = vector.shape_cast %swap3A_435 : vector<1x512x1xi32> to vector<512x1xi32>
    %swap3A_437 = vector.shape_cast %add3A_431 : vector<512x1xi32> to vector<1x512x1xi32>
    tpu.vector_store %arg5[%swap3A_432, %swap3A_433, %swap3A_434], %swap3A_437 {strides = array<i32>} : memref<1x512x32xi32, #tpu.memory_space<vmem>>, vector<1x512x1xi32>,
    %eq3A_438 = vector.broadcast %broadcast_in_dim3A_429 : vector<512x1xi32> to vector<512x2048xi32>
    %eq3A_439 = arith.cmpi eq, %iota3A, %eq3A_438 : vector<512x2048xi32>
    %jit3A_440 = arith.constant 0x7F800000 : f32
    %broadcast_in_dim3A_441 = vector.broadcast %jit3A_440 : f32 to vector<512x2048xf32>
    %select_n3A_442 = arith.select %eq3A_439, %broadcast_in_dim3A_441, %select_n3A_418 : vector<512x2048xi1>, vector<512x2048xf32>
    %reduce_min3A_443 = arith.constant dense<0x7F800000> : vector<512xf32>
    %reduce_min3A_444 = vector.multi_reduction <minimumf>, %select_n3A_442, %reduce_min3A_443 [1] : vector<512x2048xf32> to vector<512xf32>
    %broadcast_in_dim3A_445 = vector.shape_cast %reduce_min3A_444 : vector<512xf32> to vector<512x1xf32>
    %eq3A_446 = vector.broadcast %broadcast_in_dim3A_445 : vector<512x1xf32> to vector<512x2048xf32>
    %eq3A_447 = arith.cmpf oeq, %select_n3A_442, %eq3A_446 : vector<512x2048xf32>
    %jit3A_448 = arith.constant 2048 : i32
    %broadcast_in_dim3A_449 = vector.broadcast %jit3A_448 : i32 to vector<512x2048xi32>
    %select_n3A_450 = arith.select %eq3A_447, %iota3A, %broadcast_in_dim3A_449 : vector<512x2048xi1>, vector<512x2048xi32>
    %reduce_min3A_451 = arith.constant dense<2147483647> : vector<512xi32>
    %reduce_min3A_452 = vector.multi_reduction <minsi>, %select_n3A_450, %reduce_min3A_451 [1] : vector<512x2048xi32> to vector<512xi32>
    %broadcast_in_dim3A_453 = vector.shape_cast %reduce_min3A_452 : vector<512xi32> to vector<512x1xi32>
    %add3A_454 = vector.broadcast %mul3A_40 : i32 to vector<512x1xi32>
    %add3A_455 = arith.addi %broadcast_in_dim3A_453, %add3A_454 : vector<512x1xi32>
    %swap3A_456 = arith.constant 0 : index
    %swap3A_457 = arith.constant 0 : index
    %swap3A_458 = arith.constant 17 : index
    %swap3A_459 = vector.load %arg5[%swap3A_456, %swap3A_457, %swap3A_458] : memref<1x512x32xi32, #tpu.memory_space<vmem>>, vector<1x512x1xi32>
    %swap3A_460 = vector.shape_cast %swap3A_459 : vector<1x512x1xi32> to vector<512x1xi32>
    %swap3A_461 = vector.shape_cast %add3A_455 : vector<512x1xi32> to vector<1x512x1xi32>
    tpu.vector_store %arg5[%swap3A_456, %swap3A_457, %swap3A_458], %swap3A_461 {strides = array<i32>} : memref<1x512x32xi32, #tpu.memory_space<vmem>>, vector<1x512x1xi32>,
    %eq3A_462 = vector.broadcast %broadcast_in_dim3A_453 : vector<512x1xi32> to vector<512x2048xi32>
    %eq3A_463 = arith.cmpi eq, %iota3A, %eq3A_462 : vector<512x2048xi32>
    %jit3A_464 = arith.constant 0x7F800000 : f32
    %broadcast_in_dim3A_465 = vector.broadcast %jit3A_464 : f32 to vector<512x2048xf32>
    %select_n3A_466 = arith.select %eq3A_463, %broadcast_in_dim3A_465, %select_n3A_442 : vector<512x2048xi1>, vector<512x2048xf32>
    %reduce_min3A_467 = arith.constant dense<0x7F800000> : vector<512xf32>
    %reduce_min3A_468 = vector.multi_reduction <minimumf>, %select_n3A_466, %reduce_min3A_467 [1] : vector<512x2048xf32> to vector<512xf32>
    %broadcast_in_dim3A_469 = vector.shape_cast %reduce_min3A_468 : vector<512xf32> to vector<512x1xf32>
    %eq3A_470 = vector.broadcast %broadcast_in_dim3A_469 : vector<512x1xf32> to vector<512x2048xf32>
    %eq3A_471 = arith.cmpf oeq, %select_n3A_466, %eq3A_470 : vector<512x2048xf32>
    %jit3A_472 = arith.constant 2048 : i32
    %broadcast_in_dim3A_473 = vector.broadcast %jit3A_472 : i32 to vector<512x2048xi32>
    %select_n3A_474 = arith.select %eq3A_471, %iota3A, %broadcast_in_dim3A_473 : vector<512x2048xi1>, vector<512x2048xi32>
    %reduce_min3A_475 = arith.constant dense<2147483647> : vector<512xi32>
    %reduce_min3A_476 = vector.multi_reduction <minsi>, %select_n3A_474, %reduce_min3A_475 [1] : vector<512x2048xi32> to vector<512xi32>
    %broadcast_in_dim3A_477 = vector.shape_cast %reduce_min3A_476 : vector<512xi32> to vector<512x1xi32>
    %add3A_478 = vector.broadcast %mul3A_40 : i32 to vector<512x1xi32>
    %add3A_479 = arith.addi %broadcast_in_dim3A_477, %add3A_478 : vector<512x1xi32>
    %swap3A_480 = arith.constant 0 : index
    %swap3A_481 = arith.constant 0 : index
    %swap3A_482 = arith.constant 18 : index
    %swap3A_483 = vector.load %arg5[%swap3A_480, %swap3A_481, %swap3A_482] : memref<1x512x32xi32, #tpu.memory_space<vmem>>, vector<1x512x1xi32>
    %swap3A_484 = vector.shape_cast %swap3A_483 : vector<1x512x1xi32> to vector<512x1xi32>
    %swap3A_485 = vector.shape_cast %add3A_479 : vector<512x1xi32> to vector<1x512x1xi32>
    tpu.vector_store %arg5[%swap3A_480, %swap3A_481, %swap3A_482], %swap3A_485 {strides = array<i32>} : memref<1x512x32xi32, #tpu.memory_space<vmem>>, vector<1x512x1xi32>,
    %eq3A_486 = vector.broadcast %broadcast_in_dim3A_477 : vector<512x1xi32> to vector<512x2048xi32>
    %eq3A_487 = arith.cmpi eq, %iota3A, %eq3A_486 : vector<512x2048xi32>
    %jit3A_488 = arith.constant 0x7F800000 : f32
    %broadcast_in_dim3A_489 = vector.broadcast %jit3A_488 : f32 to vector<512x2048xf32>
    %select_n3A_490 = arith.select %eq3A_487, %broadcast_in_dim3A_489, %select_n3A_466 : vector<512x2048xi1>, vector<512x2048xf32>
    %reduce_min3A_491 = arith.constant dense<0x7F800000> : vector<512xf32>
    %reduce_min3A_492 = vector.multi_reduction <minimumf>, %select_n3A_490, %reduce_min3A_491 [1] : vector<512x2048xf32> to vector<512xf32>
    %broadcast_in_dim3A_493 = vector.shape_cast %reduce_min3A_492 : vector<512xf32> to vector<512x1xf32>
    %eq3A_494 = vector.broadcast %broadcast_in_dim3A_493 : vector<512x1xf32> to vector<512x2048xf32>
    %eq3A_495 = arith.cmpf oeq, %select_n3A_490, %eq3A_494 : vector<512x2048xf32>
    %jit3A_496 = arith.constant 2048 : i32
    %broadcast_in_dim3A_497 = vector.broadcast %jit3A_496 : i32 to vector<512x2048xi32>
    %select_n3A_498 = arith.select %eq3A_495, %iota3A, %broadcast_in_dim3A_497 : vector<512x2048xi1>, vector<512x2048xi32>
    %reduce_min3A_499 = arith.constant dense<2147483647> : vector<512xi32>
    %reduce_min3A_500 = vector.multi_reduction <minsi>, %select_n3A_498, %reduce_min3A_499 [1] : vector<512x2048xi32> to vector<512xi32>
    %broadcast_in_dim3A_501 = vector.shape_cast %reduce_min3A_500 : vector<512xi32> to vector<512x1xi32>
    %add3A_502 = vector.broadcast %mul3A_40 : i32 to vector<512x1xi32>
    %add3A_503 = arith.addi %broadcast_in_dim3A_501, %add3A_502 : vector<512x1xi32>
    %swap3A_504 = arith.constant 0 : index
    %swap3A_505 = arith.constant 0 : index
    %swap3A_506 = arith.constant 19 : index
    %swap3A_507 = vector.load %arg5[%swap3A_504, %swap3A_505, %swap3A_506] : memref<1x512x32xi32, #tpu.memory_space<vmem>>, vector<1x512x1xi32>
    %swap3A_508 = vector.shape_cast %swap3A_507 : vector<1x512x1xi32> to vector<512x1xi32>
    %swap3A_509 = vector.shape_cast %add3A_503 : vector<512x1xi32> to vector<1x512x1xi32>
    tpu.vector_store %arg5[%swap3A_504, %swap3A_505, %swap3A_506], %swap3A_509 {strides = array<i32>} : memref<1x512x32xi32, #tpu.memory_space<vmem>>, vector<1x512x1xi32>,
    %eq3A_510 = vector.broadcast %broadcast_in_dim3A_501 : vector<512x1xi32> to vector<512x2048xi32>
    %eq3A_511 = arith.cmpi eq, %iota3A, %eq3A_510 : vector<512x2048xi32>
    %jit3A_512 = arith.constant 0x7F800000 : f32
    %broadcast_in_dim3A_513 = vector.broadcast %jit3A_512 : f32 to vector<512x2048xf32>
    %select_n3A_514 = arith.select %eq3A_511, %broadcast_in_dim3A_513, %select_n3A_490 : vector<512x2048xi1>, vector<512x2048xf32>
    %reduce_min3A_515 = arith.constant dense<0x7F800000> : vector<512xf32>
    %reduce_min3A_516 = vector.multi_reduction <minimumf>, %select_n3A_514, %reduce_min3A_515 [1] : vector<512x2048xf32> to vector<512xf32>
    %broadcast_in_dim3A_517 = vector.shape_cast %reduce_min3A_516 : vector<512xf32> to vector<512x1xf32>
    %eq3A_518 = vector.broadcast %broadcast_in_dim3A_517 : vector<512x1xf32> to vector<512x2048xf32>
    %eq3A_519 = arith.cmpf oeq, %select_n3A_514, %eq3A_518 : vector<512x2048xf32>
    %jit3A_520 = arith.constant 2048 : i32
    %broadcast_in_dim3A_521 = vector.broadcast %jit3A_520 : i32 to vector<512x2048xi32>
    %select_n3A_522 = arith.select %eq3A_519, %iota3A, %broadcast_in_dim3A_521 : vector<512x2048xi1>, vector<512x2048xi32>
    %reduce_min3A_523 = arith.constant dense<2147483647> : vector<512xi32>
    %reduce_min3A_524 = vector.multi_reduction <minsi>, %select_n3A_522, %reduce_min3A_523 [1] : vector<512x2048xi32> to vector<512xi32>
    %broadcast_in_dim3A_525 = vector.shape_cast %reduce_min3A_524 : vector<512xi32> to vector<512x1xi32>
    %add3A_526 = vector.broadcast %mul3A_40 : i32 to vector<512x1xi32>
    %add3A_527 = arith.addi %broadcast_in_dim3A_525, %add3A_526 : vector<512x1xi32>
    %swap3A_528 = arith.constant 0 : index
    %swap3A_529 = arith.constant 0 : index
    %swap3A_530 = arith.constant 20 : index
    %swap3A_531 = vector.load %arg5[%swap3A_528, %swap3A_529, %swap3A_530] : memref<1x512x32xi32, #tpu.memory_space<vmem>>, vector<1x512x1xi32>
    %swap3A_532 = vector.shape_cast %swap3A_531 : vector<1x512x1xi32> to vector<512x1xi32>
    %swap3A_533 = vector.shape_cast %add3A_527 : vector<512x1xi32> to vector<1x512x1xi32>
    tpu.vector_store %arg5[%swap3A_528, %swap3A_529, %swap3A_530], %swap3A_533 {strides = array<i32>} : memref<1x512x32xi32, #tpu.memory_space<vmem>>, vector<1x512x1xi32>,
    %eq3A_534 = vector.broadcast %broadcast_in_dim3A_525 : vector<512x1xi32> to vector<512x2048xi32>
    %eq3A_535 = arith.cmpi eq, %iota3A, %eq3A_534 : vector<512x2048xi32>
    %jit3A_536 = arith.constant 0x7F800000 : f32
    %broadcast_in_dim3A_537 = vector.broadcast %jit3A_536 : f32 to vector<512x2048xf32>
    %select_n3A_538 = arith.select %eq3A_535, %broadcast_in_dim3A_537, %select_n3A_514 : vector<512x2048xi1>, vector<512x2048xf32>
    %reduce_min3A_539 = arith.constant dense<0x7F800000> : vector<512xf32>
    %reduce_min3A_540 = vector.multi_reduction <minimumf>, %select_n3A_538, %reduce_min3A_539 [1] : vector<512x2048xf32> to vector<512xf32>
    %broadcast_in_dim3A_541 = vector.shape_cast %reduce_min3A_540 : vector<512xf32> to vector<512x1xf32>
    %eq3A_542 = vector.broadcast %broadcast_in_dim3A_541 : vector<512x1xf32> to vector<512x2048xf32>
    %eq3A_543 = arith.cmpf oeq, %select_n3A_538, %eq3A_542 : vector<512x2048xf32>
    %jit3A_544 = arith.constant 2048 : i32
    %broadcast_in_dim3A_545 = vector.broadcast %jit3A_544 : i32 to vector<512x2048xi32>
    %select_n3A_546 = arith.select %eq3A_543, %iota3A, %broadcast_in_dim3A_545 : vector<512x2048xi1>, vector<512x2048xi32>
    %reduce_min3A_547 = arith.constant dense<2147483647> : vector<512xi32>
    %reduce_min3A_548 = vector.multi_reduction <minsi>, %select_n3A_546, %reduce_min3A_547 [1] : vector<512x2048xi32> to vector<512xi32>
    %broadcast_in_dim3A_549 = vector.shape_cast %reduce_min3A_548 : vector<512xi32> to vector<512x1xi32>
    %add3A_550 = vector.broadcast %mul3A_40 : i32 to vector<512x1xi32>
    %add3A_551 = arith.addi %broadcast_in_dim3A_549, %add3A_550 : vector<512x1xi32>
    %swap3A_552 = arith.constant 0 : index
    %swap3A_553 = arith.constant 0 : index
    %swap3A_554 = arith.constant 21 : index
    %swap3A_555 = vector.load %arg5[%swap3A_552, %swap3A_553, %swap3A_554] : memref<1x512x32xi32, #tpu.memory_space<vmem>>, vector<1x512x1xi32>
    %swap3A_556 = vector.shape_cast %swap3A_555 : vector<1x512x1xi32> to vector<512x1xi32>
    %swap3A_557 = vector.shape_cast %add3A_551 : vector<512x1xi32> to vector<1x512x1xi32>
    tpu.vector_store %arg5[%swap3A_552, %swap3A_553, %swap3A_554], %swap3A_557 {strides = array<i32>} : memref<1x512x32xi32, #tpu.memory_space<vmem>>, vector<1x512x1xi32>,
    %eq3A_558 = vector.broadcast %broadcast_in_dim3A_549 : vector<512x1xi32> to vector<512x2048xi32>
    %eq3A_559 = arith.cmpi eq, %iota3A, %eq3A_558 : vector<512x2048xi32>
    %jit3A_560 = arith.constant 0x7F800000 : f32
    %broadcast_in_dim3A_561 = vector.broadcast %jit3A_560 : f32 to vector<512x2048xf32>
    %select_n3A_562 = arith.select %eq3A_559, %broadcast_in_dim3A_561, %select_n3A_538 : vector<512x2048xi1>, vector<512x2048xf32>
    %reduce_min3A_563 = arith.constant dense<0x7F800000> : vector<512xf32>
    %reduce_min3A_564 = vector.multi_reduction <minimumf>, %select_n3A_562, %reduce_min3A_563 [1] : vector<512x2048xf32> to vector<512xf32>
    %broadcast_in_dim3A_565 = vector.shape_cast %reduce_min3A_564 : vector<512xf32> to vector<512x1xf32>
    %eq3A_566 = vector.broadcast %broadcast_in_dim3A_565 : vector<512x1xf32> to vector<512x2048xf32>
    %eq3A_567 = arith.cmpf oeq, %select_n3A_562, %eq3A_566 : vector<512x2048xf32>
    %jit3A_568 = arith.constant 2048 : i32
    %broadcast_in_dim3A_569 = vector.broadcast %jit3A_568 : i32 to vector<512x2048xi32>
    %select_n3A_570 = arith.select %eq3A_567, %iota3A, %broadcast_in_dim3A_569 : vector<512x2048xi1>, vector<512x2048xi32>
    %reduce_min3A_571 = arith.constant dense<2147483647> : vector<512xi32>
    %reduce_min3A_572 = vector.multi_reduction <minsi>, %select_n3A_570, %reduce_min3A_571 [1] : vector<512x2048xi32> to vector<512xi32>
    %broadcast_in_dim3A_573 = vector.shape_cast %reduce_min3A_572 : vector<512xi32> to vector<512x1xi32>
    %add3A_574 = vector.broadcast %mul3A_40 : i32 to vector<512x1xi32>
    %add3A_575 = arith.addi %broadcast_in_dim3A_573, %add3A_574 : vector<512x1xi32>
    %swap3A_576 = arith.constant 0 : index
    %swap3A_577 = arith.constant 0 : index
    %swap3A_578 = arith.constant 22 : index
    %swap3A_579 = vector.load %arg5[%swap3A_576, %swap3A_577, %swap3A_578] : memref<1x512x32xi32, #tpu.memory_space<vmem>>, vector<1x512x1xi32>
    %swap3A_580 = vector.shape_cast %swap3A_579 : vector<1x512x1xi32> to vector<512x1xi32>
    %swap3A_581 = vector.shape_cast %add3A_575 : vector<512x1xi32> to vector<1x512x1xi32>
    tpu.vector_store %arg5[%swap3A_576, %swap3A_577, %swap3A_578], %swap3A_581 {strides = array<i32>} : memref<1x512x32xi32, #tpu.memory_space<vmem>>, vector<1x512x1xi32>,
    %eq3A_582 = vector.broadcast %broadcast_in_dim3A_573 : vector<512x1xi32> to vector<512x2048xi32>
    %eq3A_583 = arith.cmpi eq, %iota3A, %eq3A_582 : vector<512x2048xi32>
    %jit3A_584 = arith.constant 0x7F800000 : f32
    %broadcast_in_dim3A_585 = vector.broadcast %jit3A_584 : f32 to vector<512x2048xf32>
    %select_n3A_586 = arith.select %eq3A_583, %broadcast_in_dim3A_585, %select_n3A_562 : vector<512x2048xi1>, vector<512x2048xf32>
    %reduce_min3A_587 = arith.constant dense<0x7F800000> : vector<512xf32>
    %reduce_min3A_588 = vector.multi_reduction <minimumf>, %select_n3A_586, %reduce_min3A_587 [1] : vector<512x2048xf32> to vector<512xf32>
    %broadcast_in_dim3A_589 = vector.shape_cast %reduce_min3A_588 : vector<512xf32> to vector<512x1xf32>
    %eq3A_590 = vector.broadcast %broadcast_in_dim3A_589 : vector<512x1xf32> to vector<512x2048xf32>
    %eq3A_591 = arith.cmpf oeq, %select_n3A_586, %eq3A_590 : vector<512x2048xf32>
    %jit3A_592 = arith.constant 2048 : i32
    %broadcast_in_dim3A_593 = vector.broadcast %jit3A_592 : i32 to vector<512x2048xi32>
    %select_n3A_594 = arith.select %eq3A_591, %iota3A, %broadcast_in_dim3A_593 : vector<512x2048xi1>, vector<512x2048xi32>
    %reduce_min3A_595 = arith.constant dense<2147483647> : vector<512xi32>
    %reduce_min3A_596 = vector.multi_reduction <minsi>, %select_n3A_594, %reduce_min3A_595 [1] : vector<512x2048xi32> to vector<512xi32>
    %broadcast_in_dim3A_597 = vector.shape_cast %reduce_min3A_596 : vector<512xi32> to vector<512x1xi32>
    %add3A_598 = vector.broadcast %mul3A_40 : i32 to vector<512x1xi32>
    %add3A_599 = arith.addi %broadcast_in_dim3A_597, %add3A_598 : vector<512x1xi32>
    %swap3A_600 = arith.constant 0 : index
    %swap3A_601 = arith.constant 0 : index
    %swap3A_602 = arith.constant 23 : index
    %swap3A_603 = vector.load %arg5[%swap3A_600, %swap3A_601, %swap3A_602] : memref<1x512x32xi32, #tpu.memory_space<vmem>>, vector<1x512x1xi32>
    %swap3A_604 = vector.shape_cast %swap3A_603 : vector<1x512x1xi32> to vector<512x1xi32>
    %swap3A_605 = vector.shape_cast %add3A_599 : vector<512x1xi32> to vector<1x512x1xi32>
    tpu.vector_store %arg5[%swap3A_600, %swap3A_601, %swap3A_602], %swap3A_605 {strides = array<i32>} : memref<1x512x32xi32, #tpu.memory_space<vmem>>, vector<1x512x1xi32>,
    %eq3A_606 = vector.broadcast %broadcast_in_dim3A_597 : vector<512x1xi32> to vector<512x2048xi32>
    %eq3A_607 = arith.cmpi eq, %iota3A, %eq3A_606 : vector<512x2048xi32>
    %jit3A_608 = arith.constant 0x7F800000 : f32
    %broadcast_in_dim3A_609 = vector.broadcast %jit3A_608 : f32 to vector<512x2048xf32>
    %select_n3A_610 = arith.select %eq3A_607, %broadcast_in_dim3A_609, %select_n3A_586 : vector<512x2048xi1>, vector<512x2048xf32>
    %reduce_min3A_611 = arith.constant dense<0x7F800000> : vector<512xf32>
    %reduce_min3A_612 = vector.multi_reduction <minimumf>, %select_n3A_610, %reduce_min3A_611 [1] : vector<512x2048xf32> to vector<512xf32>
    %broadcast_in_dim3A_613 = vector.shape_cast %reduce_min3A_612 : vector<512xf32> to vector<512x1xf32>
    %eq3A_614 = vector.broadcast %broadcast_in_dim3A_613 : vector<512x1xf32> to vector<512x2048xf32>
    %eq3A_615 = arith.cmpf oeq, %select_n3A_610, %eq3A_614 : vector<512x2048xf32>
    %jit3A_616 = arith.constant 2048 : i32
    %broadcast_in_dim3A_617 = vector.broadcast %jit3A_616 : i32 to vector<512x2048xi32>
    %select_n3A_618 = arith.select %eq3A_615, %iota3A, %broadcast_in_dim3A_617 : vector<512x2048xi1>, vector<512x2048xi32>
    %reduce_min3A_619 = arith.constant dense<2147483647> : vector<512xi32>
    %reduce_min3A_620 = vector.multi_reduction <minsi>, %select_n3A_618, %reduce_min3A_619 [1] : vector<512x2048xi32> to vector<512xi32>
    %broadcast_in_dim3A_621 = vector.shape_cast %reduce_min3A_620 : vector<512xi32> to vector<512x1xi32>
    %add3A_622 = vector.broadcast %mul3A_40 : i32 to vector<512x1xi32>
    %add3A_623 = arith.addi %broadcast_in_dim3A_621, %add3A_622 : vector<512x1xi32>
    %swap3A_624 = arith.constant 0 : index
    %swap3A_625 = arith.constant 0 : index
    %swap3A_626 = arith.constant 24 : index
    %swap3A_627 = vector.load %arg5[%swap3A_624, %swap3A_625, %swap3A_626] : memref<1x512x32xi32, #tpu.memory_space<vmem>>, vector<1x512x1xi32>
    %swap3A_628 = vector.shape_cast %swap3A_627 : vector<1x512x1xi32> to vector<512x1xi32>
    %swap3A_629 = vector.shape_cast %add3A_623 : vector<512x1xi32> to vector<1x512x1xi32>
    tpu.vector_store %arg5[%swap3A_624, %swap3A_625, %swap3A_626], %swap3A_629 {strides = array<i32>} : memref<1x512x32xi32, #tpu.memory_space<vmem>>, vector<1x512x1xi32>,
    %eq3A_630 = vector.broadcast %broadcast_in_dim3A_621 : vector<512x1xi32> to vector<512x2048xi32>
    %eq3A_631 = arith.cmpi eq, %iota3A, %eq3A_630 : vector<512x2048xi32>
    %jit3A_632 = arith.constant 0x7F800000 : f32
    %broadcast_in_dim3A_633 = vector.broadcast %jit3A_632 : f32 to vector<512x2048xf32>
    %select_n3A_634 = arith.select %eq3A_631, %broadcast_in_dim3A_633, %select_n3A_610 : vector<512x2048xi1>, vector<512x2048xf32>
    %reduce_min3A_635 = arith.constant dense<0x7F800000> : vector<512xf32>
    %reduce_min3A_636 = vector.multi_reduction <minimumf>, %select_n3A_634, %reduce_min3A_635 [1] : vector<512x2048xf32> to vector<512xf32>
    %broadcast_in_dim3A_637 = vector.shape_cast %reduce_min3A_636 : vector<512xf32> to vector<512x1xf32>
    %eq3A_638 = vector.broadcast %broadcast_in_dim3A_637 : vector<512x1xf32> to vector<512x2048xf32>
    %eq3A_639 = arith.cmpf oeq, %select_n3A_634, %eq3A_638 : vector<512x2048xf32>
    %jit3A_640 = arith.constant 2048 : i32
    %broadcast_in_dim3A_641 = vector.broadcast %jit3A_640 : i32 to vector<512x2048xi32>
    %select_n3A_642 = arith.select %eq3A_639, %iota3A, %broadcast_in_dim3A_641 : vector<512x2048xi1>, vector<512x2048xi32>
    %reduce_min3A_643 = arith.constant dense<2147483647> : vector<512xi32>
    %reduce_min3A_644 = vector.multi_reduction <minsi>, %select_n3A_642, %reduce_min3A_643 [1] : vector<512x2048xi32> to vector<512xi32>
    %broadcast_in_dim3A_645 = vector.shape_cast %reduce_min3A_644 : vector<512xi32> to vector<512x1xi32>
    %add3A_646 = vector.broadcast %mul3A_40 : i32 to vector<512x1xi32>
    %add3A_647 = arith.addi %broadcast_in_dim3A_645, %add3A_646 : vector<512x1xi32>
    %swap3A_648 = arith.constant 0 : index
    %swap3A_649 = arith.constant 0 : index
    %swap3A_650 = arith.constant 25 : index
    %swap3A_651 = vector.load %arg5[%swap3A_648, %swap3A_649, %swap3A_650] : memref<1x512x32xi32, #tpu.memory_space<vmem>>, vector<1x512x1xi32>
    %swap3A_652 = vector.shape_cast %swap3A_651 : vector<1x512x1xi32> to vector<512x1xi32>
    %swap3A_653 = vector.shape_cast %add3A_647 : vector<512x1xi32> to vector<1x512x1xi32>
    tpu.vector_store %arg5[%swap3A_648, %swap3A_649, %swap3A_650], %swap3A_653 {strides = array<i32>} : memref<1x512x32xi32, #tpu.memory_space<vmem>>, vector<1x512x1xi32>,
    %eq3A_654 = vector.broadcast %broadcast_in_dim3A_645 : vector<512x1xi32> to vector<512x2048xi32>
    %eq3A_655 = arith.cmpi eq, %iota3A, %eq3A_654 : vector<512x2048xi32>
    %jit3A_656 = arith.constant 0x7F800000 : f32
    %broadcast_in_dim3A_657 = vector.broadcast %jit3A_656 : f32 to vector<512x2048xf32>
    %select_n3A_658 = arith.select %eq3A_655, %broadcast_in_dim3A_657, %select_n3A_634 : vector<512x2048xi1>, vector<512x2048xf32>
    %reduce_min3A_659 = arith.constant dense<0x7F800000> : vector<512xf32>
    %reduce_min3A_660 = vector.multi_reduction <minimumf>, %select_n3A_658, %reduce_min3A_659 [1] : vector<512x2048xf32> to vector<512xf32>
    %broadcast_in_dim3A_661 = vector.shape_cast %reduce_min3A_660 : vector<512xf32> to vector<512x1xf32>
    %eq3A_662 = vector.broadcast %broadcast_in_dim3A_661 : vector<512x1xf32> to vector<512x2048xf32>
    %eq3A_663 = arith.cmpf oeq, %select_n3A_658, %eq3A_662 : vector<512x2048xf32>
    %jit3A_664 = arith.constant 2048 : i32
    %broadcast_in_dim3A_665 = vector.broadcast %jit3A_664 : i32 to vector<512x2048xi32>
    %select_n3A_666 = arith.select %eq3A_663, %iota3A, %broadcast_in_dim3A_665 : vector<512x2048xi1>, vector<512x2048xi32>
    %reduce_min3A_667 = arith.constant dense<2147483647> : vector<512xi32>
    %reduce_min3A_668 = vector.multi_reduction <minsi>, %select_n3A_666, %reduce_min3A_667 [1] : vector<512x2048xi32> to vector<512xi32>
    %broadcast_in_dim3A_669 = vector.shape_cast %reduce_min3A_668 : vector<512xi32> to vector<512x1xi32>
    %add3A_670 = vector.broadcast %mul3A_40 : i32 to vector<512x1xi32>
    %add3A_671 = arith.addi %broadcast_in_dim3A_669, %add3A_670 : vector<512x1xi32>
    %swap3A_672 = arith.constant 0 : index
    %swap3A_673 = arith.constant 0 : index
    %swap3A_674 = arith.constant 26 : index
    %swap3A_675 = vector.load %arg5[%swap3A_672, %swap3A_673, %swap3A_674] : memref<1x512x32xi32, #tpu.memory_space<vmem>>, vector<1x512x1xi32>
    %swap3A_676 = vector.shape_cast %swap3A_675 : vector<1x512x1xi32> to vector<512x1xi32>
    %swap3A_677 = vector.shape_cast %add3A_671 : vector<512x1xi32> to vector<1x512x1xi32>
    tpu.vector_store %arg5[%swap3A_672, %swap3A_673, %swap3A_674], %swap3A_677 {strides = array<i32>} : memref<1x512x32xi32, #tpu.memory_space<vmem>>, vector<1x512x1xi32>,
    %eq3A_678 = vector.broadcast %broadcast_in_dim3A_669 : vector<512x1xi32> to vector<512x2048xi32>
    %eq3A_679 = arith.cmpi eq, %iota3A, %eq3A_678 : vector<512x2048xi32>
    %jit3A_680 = arith.constant 0x7F800000 : f32
    %broadcast_in_dim3A_681 = vector.broadcast %jit3A_680 : f32 to vector<512x2048xf32>
    %select_n3A_682 = arith.select %eq3A_679, %broadcast_in_dim3A_681, %select_n3A_658 : vector<512x2048xi1>, vector<512x2048xf32>
    %reduce_min3A_683 = arith.constant dense<0x7F800000> : vector<512xf32>
    %reduce_min3A_684 = vector.multi_reduction <minimumf>, %select_n3A_682, %reduce_min3A_683 [1] : vector<512x2048xf32> to vector<512xf32>
    %broadcast_in_dim3A_685 = vector.shape_cast %reduce_min3A_684 : vector<512xf32> to vector<512x1xf32>
    %eq3A_686 = vector.broadcast %broadcast_in_dim3A_685 : vector<512x1xf32> to vector<512x2048xf32>
    %eq3A_687 = arith.cmpf oeq, %select_n3A_682, %eq3A_686 : vector<512x2048xf32>
    %jit3A_688 = arith.constant 2048 : i32
    %broadcast_in_dim3A_689 = vector.broadcast %jit3A_688 : i32 to vector<512x2048xi32>
    %select_n3A_690 = arith.select %eq3A_687, %iota3A, %broadcast_in_dim3A_689 : vector<512x2048xi1>, vector<512x2048xi32>
    %reduce_min3A_691 = arith.constant dense<2147483647> : vector<512xi32>
    %reduce_min3A_692 = vector.multi_reduction <minsi>, %select_n3A_690, %reduce_min3A_691 [1] : vector<512x2048xi32> to vector<512xi32>
    %broadcast_in_dim3A_693 = vector.shape_cast %reduce_min3A_692 : vector<512xi32> to vector<512x1xi32>
    %add3A_694 = vector.broadcast %mul3A_40 : i32 to vector<512x1xi32>
    %add3A_695 = arith.addi %broadcast_in_dim3A_693, %add3A_694 : vector<512x1xi32>
    %swap3A_696 = arith.constant 0 : index
    %swap3A_697 = arith.constant 0 : index
    %swap3A_698 = arith.constant 27 : index
    %swap3A_699 = vector.load %arg5[%swap3A_696, %swap3A_697, %swap3A_698] : memref<1x512x32xi32, #tpu.memory_space<vmem>>, vector<1x512x1xi32>
    %swap3A_700 = vector.shape_cast %swap3A_699 : vector<1x512x1xi32> to vector<512x1xi32>
    %swap3A_701 = vector.shape_cast %add3A_695 : vector<512x1xi32> to vector<1x512x1xi32>
    tpu.vector_store %arg5[%swap3A_696, %swap3A_697, %swap3A_698], %swap3A_701 {strides = array<i32>} : memref<1x512x32xi32, #tpu.memory_space<vmem>>, vector<1x512x1xi32>,
    %eq3A_702 = vector.broadcast %broadcast_in_dim3A_693 : vector<512x1xi32> to vector<512x2048xi32>
    %eq3A_703 = arith.cmpi eq, %iota3A, %eq3A_702 : vector<512x2048xi32>
    %jit3A_704 = arith.constant 0x7F800000 : f32
    %broadcast_in_dim3A_705 = vector.broadcast %jit3A_704 : f32 to vector<512x2048xf32>
    %select_n3A_706 = arith.select %eq3A_703, %broadcast_in_dim3A_705, %select_n3A_682 : vector<512x2048xi1>, vector<512x2048xf32>
    %reduce_min3A_707 = arith.constant dense<0x7F800000> : vector<512xf32>
    %reduce_min3A_708 = vector.multi_reduction <minimumf>, %select_n3A_706, %reduce_min3A_707 [1] : vector<512x2048xf32> to vector<512xf32>
    %broadcast_in_dim3A_709 = vector.shape_cast %reduce_min3A_708 : vector<512xf32> to vector<512x1xf32>
    %eq3A_710 = vector.broadcast %broadcast_in_dim3A_709 : vector<512x1xf32> to vector<512x2048xf32>
    %eq3A_711 = arith.cmpf oeq, %select_n3A_706, %eq3A_710 : vector<512x2048xf32>
    %jit3A_712 = arith.constant 2048 : i32
    %broadcast_in_dim3A_713 = vector.broadcast %jit3A_712 : i32 to vector<512x2048xi32>
    %select_n3A_714 = arith.select %eq3A_711, %iota3A, %broadcast_in_dim3A_713 : vector<512x2048xi1>, vector<512x2048xi32>
    %reduce_min3A_715 = arith.constant dense<2147483647> : vector<512xi32>
    %reduce_min3A_716 = vector.multi_reduction <minsi>, %select_n3A_714, %reduce_min3A_715 [1] : vector<512x2048xi32> to vector<512xi32>
    %broadcast_in_dim3A_717 = vector.shape_cast %reduce_min3A_716 : vector<512xi32> to vector<512x1xi32>
    %add3A_718 = vector.broadcast %mul3A_40 : i32 to vector<512x1xi32>
    %add3A_719 = arith.addi %broadcast_in_dim3A_717, %add3A_718 : vector<512x1xi32>
    %swap3A_720 = arith.constant 0 : index
    %swap3A_721 = arith.constant 0 : index
    %swap3A_722 = arith.constant 28 : index
    %swap3A_723 = vector.load %arg5[%swap3A_720, %swap3A_721, %swap3A_722] : memref<1x512x32xi32, #tpu.memory_space<vmem>>, vector<1x512x1xi32>
    %swap3A_724 = vector.shape_cast %swap3A_723 : vector<1x512x1xi32> to vector<512x1xi32>
    %swap3A_725 = vector.shape_cast %add3A_719 : vector<512x1xi32> to vector<1x512x1xi32>
    tpu.vector_store %arg5[%swap3A_720, %swap3A_721, %swap3A_722], %swap3A_725 {strides = array<i32>} : memref<1x512x32xi32, #tpu.memory_space<vmem>>, vector<1x512x1xi32>,
    %eq3A_726 = vector.broadcast %broadcast_in_dim3A_717 : vector<512x1xi32> to vector<512x2048xi32>
    %eq3A_727 = arith.cmpi eq, %iota3A, %eq3A_726 : vector<512x2048xi32>
    %jit3A_728 = arith.constant 0x7F800000 : f32
    %broadcast_in_dim3A_729 = vector.broadcast %jit3A_728 : f32 to vector<512x2048xf32>
    %select_n3A_730 = arith.select %eq3A_727, %broadcast_in_dim3A_729, %select_n3A_706 : vector<512x2048xi1>, vector<512x2048xf32>
    %reduce_min3A_731 = arith.constant dense<0x7F800000> : vector<512xf32>
    %reduce_min3A_732 = vector.multi_reduction <minimumf>, %select_n3A_730, %reduce_min3A_731 [1] : vector<512x2048xf32> to vector<512xf32>
    %broadcast_in_dim3A_733 = vector.shape_cast %reduce_min3A_732 : vector<512xf32> to vector<512x1xf32>
    %eq3A_734 = vector.broadcast %broadcast_in_dim3A_733 : vector<512x1xf32> to vector<512x2048xf32>
    %eq3A_735 = arith.cmpf oeq, %select_n3A_730, %eq3A_734 : vector<512x2048xf32>
    %jit3A_736 = arith.constant 2048 : i32
    %broadcast_in_dim3A_737 = vector.broadcast %jit3A_736 : i32 to vector<512x2048xi32>
    %select_n3A_738 = arith.select %eq3A_735, %iota3A, %broadcast_in_dim3A_737 : vector<512x2048xi1>, vector<512x2048xi32>
    %reduce_min3A_739 = arith.constant dense<2147483647> : vector<512xi32>
    %reduce_min3A_740 = vector.multi_reduction <minsi>, %select_n3A_738, %reduce_min3A_739 [1] : vector<512x2048xi32> to vector<512xi32>
    %broadcast_in_dim3A_741 = vector.shape_cast %reduce_min3A_740 : vector<512xi32> to vector<512x1xi32>
    %add3A_742 = vector.broadcast %mul3A_40 : i32 to vector<512x1xi32>
    %add3A_743 = arith.addi %broadcast_in_dim3A_741, %add3A_742 : vector<512x1xi32>
    %swap3A_744 = arith.constant 0 : index
    %swap3A_745 = arith.constant 0 : index
    %swap3A_746 = arith.constant 29 : index
    %swap3A_747 = vector.load %arg5[%swap3A_744, %swap3A_745, %swap3A_746] : memref<1x512x32xi32, #tpu.memory_space<vmem>>, vector<1x512x1xi32>
    %swap3A_748 = vector.shape_cast %swap3A_747 : vector<1x512x1xi32> to vector<512x1xi32>
    %swap3A_749 = vector.shape_cast %add3A_743 : vector<512x1xi32> to vector<1x512x1xi32>
    tpu.vector_store %arg5[%swap3A_744, %swap3A_745, %swap3A_746], %swap3A_749 {strides = array<i32>} : memref<1x512x32xi32, #tpu.memory_space<vmem>>, vector<1x512x1xi32>,
    %eq3A_750 = vector.broadcast %broadcast_in_dim3A_741 : vector<512x1xi32> to vector<512x2048xi32>
    %eq3A_751 = arith.cmpi eq, %iota3A, %eq3A_750 : vector<512x2048xi32>
    %jit3A_752 = arith.constant 0x7F800000 : f32
    %broadcast_in_dim3A_753 = vector.broadcast %jit3A_752 : f32 to vector<512x2048xf32>
    %select_n3A_754 = arith.select %eq3A_751, %broadcast_in_dim3A_753, %select_n3A_730 : vector<512x2048xi1>, vector<512x2048xf32>
    %reduce_min3A_755 = arith.constant dense<0x7F800000> : vector<512xf32>
    %reduce_min3A_756 = vector.multi_reduction <minimumf>, %select_n3A_754, %reduce_min3A_755 [1] : vector<512x2048xf32> to vector<512xf32>
    %broadcast_in_dim3A_757 = vector.shape_cast %reduce_min3A_756 : vector<512xf32> to vector<512x1xf32>
    %eq3A_758 = vector.broadcast %broadcast_in_dim3A_757 : vector<512x1xf32> to vector<512x2048xf32>
    %eq3A_759 = arith.cmpf oeq, %select_n3A_754, %eq3A_758 : vector<512x2048xf32>
    %jit3A_760 = arith.constant 2048 : i32
    %broadcast_in_dim3A_761 = vector.broadcast %jit3A_760 : i32 to vector<512x2048xi32>
    %select_n3A_762 = arith.select %eq3A_759, %iota3A, %broadcast_in_dim3A_761 : vector<512x2048xi1>, vector<512x2048xi32>
    %reduce_min3A_763 = arith.constant dense<2147483647> : vector<512xi32>
    %reduce_min3A_764 = vector.multi_reduction <minsi>, %select_n3A_762, %reduce_min3A_763 [1] : vector<512x2048xi32> to vector<512xi32>
    %broadcast_in_dim3A_765 = vector.shape_cast %reduce_min3A_764 : vector<512xi32> to vector<512x1xi32>
    %add3A_766 = vector.broadcast %mul3A_40 : i32 to vector<512x1xi32>
    %add3A_767 = arith.addi %broadcast_in_dim3A_765, %add3A_766 : vector<512x1xi32>
    %swap3A_768 = arith.constant 0 : index
    %swap3A_769 = arith.constant 0 : index
    %swap3A_770 = arith.constant 30 : index
    %swap3A_771 = vector.load %arg5[%swap3A_768, %swap3A_769, %swap3A_770] : memref<1x512x32xi32, #tpu.memory_space<vmem>>, vector<1x512x1xi32>
    %swap3A_772 = vector.shape_cast %swap3A_771 : vector<1x512x1xi32> to vector<512x1xi32>
    %swap3A_773 = vector.shape_cast %add3A_767 : vector<512x1xi32> to vector<1x512x1xi32>
    tpu.vector_store %arg5[%swap3A_768, %swap3A_769, %swap3A_770], %swap3A_773 {strides = array<i32>} : memref<1x512x32xi32, #tpu.memory_space<vmem>>, vector<1x512x1xi32>,
    %eq3A_774 = vector.broadcast %broadcast_in_dim3A_765 : vector<512x1xi32> to vector<512x2048xi32>
    %eq3A_775 = arith.cmpi eq, %iota3A, %eq3A_774 : vector<512x2048xi32>
    %jit3A_776 = arith.constant 0x7F800000 : f32
    %broadcast_in_dim3A_777 = vector.broadcast %jit3A_776 : f32 to vector<512x2048xf32>
    %select_n3A_778 = arith.select %eq3A_775, %broadcast_in_dim3A_777, %select_n3A_754 : vector<512x2048xi1>, vector<512x2048xf32>
    %reduce_min3A_779 = arith.constant dense<0x7F800000> : vector<512xf32>
    %reduce_min3A_780 = vector.multi_reduction <minimumf>, %select_n3A_778, %reduce_min3A_779 [1] : vector<512x2048xf32> to vector<512xf32>
    %broadcast_in_dim3A_781 = vector.shape_cast %reduce_min3A_780 : vector<512xf32> to vector<512x1xf32>
    %eq3A_782 = vector.broadcast %broadcast_in_dim3A_781 : vector<512x1xf32> to vector<512x2048xf32>
    %eq3A_783 = arith.cmpf oeq, %select_n3A_778, %eq3A_782 : vector<512x2048xf32>
    %jit3A_784 = arith.constant 2048 : i32
    %broadcast_in_dim3A_785 = vector.broadcast %jit3A_784 : i32 to vector<512x2048xi32>
    %select_n3A_786 = arith.select %eq3A_783, %iota3A, %broadcast_in_dim3A_785 : vector<512x2048xi1>, vector<512x2048xi32>
    %reduce_min3A_787 = arith.constant dense<2147483647> : vector<512xi32>
    %reduce_min3A_788 = vector.multi_reduction <minsi>, %select_n3A_786, %reduce_min3A_787 [1] : vector<512x2048xi32> to vector<512xi32>
    %broadcast_in_dim3A_789 = vector.shape_cast %reduce_min3A_788 : vector<512xi32> to vector<512x1xi32>
    %add3A_790 = vector.broadcast %mul3A_40 : i32 to vector<512x1xi32>
    %add3A_791 = arith.addi %broadcast_in_dim3A_789, %add3A_790 : vector<512x1xi32>
    %swap3A_792 = arith.constant 0 : index
    %swap3A_793 = arith.constant 0 : index
    %swap3A_794 = arith.constant 31 : index
    %swap3A_795 = vector.load %arg5[%swap3A_792, %swap3A_793, %swap3A_794] : memref<1x512x32xi32, #tpu.memory_space<vmem>>, vector<1x512x1xi32>
    %swap3A_796 = vector.shape_cast %swap3A_795 : vector<1x512x1xi32> to vector<512x1xi32>
    %swap3A_797 = vector.shape_cast %add3A_791 : vector<512x1xi32> to vector<1x512x1xi32>
    tpu.vector_store %arg5[%swap3A_792, %swap3A_793, %swap3A_794], %swap3A_797 {strides = array<i32>} : memref<1x512x32xi32, #tpu.memory_space<vmem>>, vector<1x512x1xi32>,
    return
  }
  func.func @transform_0(%arg0: i32) -> (i32, i32, i32) {
    %c0_i32 = arith.constant 0 : i32
    %c0_i32_0 = arith.constant 0 : i32
    %c0_i32_1 = arith.constant 0 : i32
    return %arg0, %c0_i32, %c0_i32_0 : i32, i32, i32
  }
  func.func @transform_1(%arg0: i32) -> (i32, i32, i32) {
    %c0_i32 = arith.constant 0 : i32
    %c0_i32_0 = arith.constant 0 : i32
    %c0_i32_1 = arith.constant 0 : i32
    return %arg0, %c0_i32, %c0_i32_0 : i32, i32, i32
  }
  func.func @transform_2(%arg0: i32) -> (i32, i32, i32) {
    %c0_i32 = arith.constant 0 : i32
    %c0_i32_0 = arith.constant 0 : i32
    %c0_i32_1 = arith.constant 0 : i32
    return %arg0, %c0_i32, %c0_i32_0 : i32, i32, i32
  }
  func.func @transform_3(%arg0: i32) -> (i32, i32, i32) {
    %c0_i32 = arith.constant 0 : i32
    %c0_i32_0 = arith.constant 0 : i32
    %c0_i32_1 = arith.constant 0 : i32
    return %arg0, %c0_i32, %c0_i32_0 : i32, i32, i32
  }
  func.func @transform_4(%arg0: i32) -> (i32, i32, i32) {
    %c0_i32 = arith.constant 0 : i32
    %c0_i32_0 = arith.constant 0 : i32
    %c0_i32_1 = arith.constant 0 : i32
    return %arg0, %c0_i32, %c0_i32_0 : i32, i32, i32
  }
}

module attributes {stable_mosaic.version = 14 : i64} {
  func.func @_fps_body(%arg0: memref<3x8x2048xf32, #tpu.memory_space<vmem>>, %arg1: memref<8x1xi32, #tpu.memory_space<vmem>>, %arg2: memref<8x512xf32, #tpu.memory_space<vmem>>, %arg3: memref<8x512xf32, #tpu.memory_space<vmem>>, %arg4: memref<8x512xf32, #tpu.memory_space<vmem>>) attributes {dimension_semantics = [], scalar_prefetch = 0 : i64, scratch_operands = 0 : i64, tpu.core_type = #tpu.core_type<tc>} {
    %get3A = arith.constant 0 : index
    %get3A_0 = arith.constant 0 : index
    %get3A_1 = arith.constant 0 : index
    %get3A_2 = vector.load %arg0[%get3A, %get3A_0, %get3A_1] : memref<3x8x2048xf32, #tpu.memory_space<vmem>>, vector<1x8x2048xf32>
    %get3A_3 = vector.shape_cast %get3A_2 : vector<1x8x2048xf32> to vector<8x2048xf32>
    %get3A_4 = arith.constant 1 : index
    %get3A_5 = arith.constant 0 : index
    %get3A_6 = arith.constant 0 : index
    %get3A_7 = vector.load %arg0[%get3A_4, %get3A_5, %get3A_6] : memref<3x8x2048xf32, #tpu.memory_space<vmem>>, vector<1x8x2048xf32>
    %get3A_8 = vector.shape_cast %get3A_7 : vector<1x8x2048xf32> to vector<8x2048xf32>
    %get3A_9 = arith.constant 2 : index
    %get3A_10 = arith.constant 0 : index
    %get3A_11 = arith.constant 0 : index
    %get3A_12 = vector.load %arg0[%get3A_9, %get3A_10, %get3A_11] : memref<3x8x2048xf32, #tpu.memory_space<vmem>>, vector<1x8x2048xf32>
    %get3A_13 = vector.shape_cast %get3A_12 : vector<1x8x2048xf32> to vector<8x2048xf32>
    %iota3A = tpu.iota {dimensions = array<i32: 1>} : vector<8x2048xi32>
    %iota3A_14 = tpu.iota {dimensions = array<i32: 1>} : vector<8x512xi32>
    %broadcast_in_dim3A = arith.constant 1.000000e+10 : f32
    %broadcast_in_dim3A_15 = vector.broadcast %broadcast_in_dim3A : f32 to vector<8x2048xf32>
    %get3A_16 = arith.constant 0 : index
    %get3A_17 = arith.constant 0 : index
    %get3A_18 = vector.load %arg1[%get3A_16, %get3A_17] : memref<8x1xi32, #tpu.memory_space<vmem>>, vector<8x1xi32>
    %broadcast_in_dim3A_19 = arith.constant 0.000000e+00 : f32
    %broadcast_in_dim3A_20 = vector.broadcast %broadcast_in_dim3A_19 : f32 to vector<8x512xf32>
    %broadcast_in_dim3A_21 = arith.constant 0.000000e+00 : f32
    %broadcast_in_dim3A_22 = vector.broadcast %broadcast_in_dim3A_21 : f32 to vector<8x512xf32>
    %broadcast_in_dim3A_23 = arith.constant 0.000000e+00 : f32
    %broadcast_in_dim3A_24 = vector.broadcast %broadcast_in_dim3A_23 : f32 to vector<8x512xf32>
    %scan3A = arith.constant 0 : i32
    %scan3A_25 = arith.constant 512 : i32
    %scan3A_26 = arith.addi %scan3A, %scan3A_25 : i32
    %scan3A_27 = arith.constant 1 : i32
    %scan3A_28:5 = scf.for %scan3A_38 = %scan3A to %scan3A_26 step %scan3A_27 iter_args(%scan3A_39 = %broadcast_in_dim3A_15, %scan3A_40 = %get3A_18, %scan3A_41 = %broadcast_in_dim3A_20, %scan3A_42 = %broadcast_in_dim3A_22, %scan3A_43 = %broadcast_in_dim3A_24) -> (vector<8x2048xf32>, vector<8x1xi32>, vector<8x512xf32>, vector<8x512xf32>, vector<8x512xf32>)  : i32 {
      %eq3A = vector.broadcast %scan3A_40 : vector<8x1xi32> to vector<8x2048xi32>
      %eq3A_44 = arith.cmpi eq, %iota3A, %eq3A : vector<8x2048xi32>
      %jit3A = arith.constant 0.000000e+00 : f32
      %broadcast_in_dim3A_45 = vector.broadcast %jit3A : f32 to vector<8x2048xf32>
      %select_n3A = arith.select %eq3A_44, %get3A_3, %broadcast_in_dim3A_45 : vector<8x2048xi1>, vector<8x2048xf32>
      %reduce_sum3A = arith.constant dense<0.000000e+00> : vector<8xf32>
      %reduce_sum3A_46 = vector.multi_reduction <add>, %select_n3A, %reduce_sum3A [1] : vector<8x2048xf32> to vector<8xf32>
      %broadcast_in_dim3A_47 = vector.shape_cast %reduce_sum3A_46 : vector<8xf32> to vector<8x1xf32>
      %jit3A_48 = arith.constant 0.000000e+00 : f32
      %broadcast_in_dim3A_49 = vector.broadcast %jit3A_48 : f32 to vector<8x2048xf32>
      %select_n3A_50 = arith.select %eq3A_44, %get3A_8, %broadcast_in_dim3A_49 : vector<8x2048xi1>, vector<8x2048xf32>
      %reduce_sum3A_51 = arith.constant dense<0.000000e+00> : vector<8xf32>
      %reduce_sum3A_52 = vector.multi_reduction <add>, %select_n3A_50, %reduce_sum3A_51 [1] : vector<8x2048xf32> to vector<8xf32>
      %broadcast_in_dim3A_53 = vector.shape_cast %reduce_sum3A_52 : vector<8xf32> to vector<8x1xf32>
      %jit3A_54 = arith.constant 0.000000e+00 : f32
      %broadcast_in_dim3A_55 = vector.broadcast %jit3A_54 : f32 to vector<8x2048xf32>
      %select_n3A_56 = arith.select %eq3A_44, %get3A_13, %broadcast_in_dim3A_55 : vector<8x2048xi1>, vector<8x2048xf32>
      %reduce_sum3A_57 = arith.constant dense<0.000000e+00> : vector<8xf32>
      %reduce_sum3A_58 = vector.multi_reduction <add>, %select_n3A_56, %reduce_sum3A_57 [1] : vector<8x2048xf32> to vector<8xf32>
      %broadcast_in_dim3A_59 = vector.shape_cast %reduce_sum3A_58 : vector<8xf32> to vector<8x1xf32>
      %sub3A = vector.broadcast %broadcast_in_dim3A_47 : vector<8x1xf32> to vector<8x2048xf32>
      %sub3A_60 = arith.subf %get3A_3, %sub3A : vector<8x2048xf32>
      %integer_pow3A = arith.mulf %sub3A_60, %sub3A_60 : vector<8x2048xf32>
      %sub3A_61 = vector.broadcast %broadcast_in_dim3A_53 : vector<8x1xf32> to vector<8x2048xf32>
      %sub3A_62 = arith.subf %get3A_8, %sub3A_61 : vector<8x2048xf32>
      %integer_pow3A_63 = arith.mulf %sub3A_62, %sub3A_62 : vector<8x2048xf32>
      %add3A = arith.addf %integer_pow3A, %integer_pow3A_63 : vector<8x2048xf32>
      %sub3A_64 = vector.broadcast %broadcast_in_dim3A_59 : vector<8x1xf32> to vector<8x2048xf32>
      %sub3A_65 = arith.subf %get3A_13, %sub3A_64 : vector<8x2048xf32>
      %integer_pow3A_66 = arith.mulf %sub3A_65, %sub3A_65 : vector<8x2048xf32>
      %add3A_67 = arith.addf %add3A, %integer_pow3A_66 : vector<8x2048xf32>
      %min3A = arith.minimumf %scan3A_39, %add3A_67 : vector<8x2048xf32>
      %reduce_max3A = arith.constant dense<0xFF800000> : vector<8xf32>
      %reduce_max3A_68 = vector.multi_reduction <maximumf>, %min3A, %reduce_max3A [1] : vector<8x2048xf32> to vector<8xf32>
      %broadcast_in_dim3A_69 = vector.shape_cast %reduce_max3A_68 : vector<8xf32> to vector<8x1xf32>
      %eq3A_70 = vector.broadcast %broadcast_in_dim3A_69 : vector<8x1xf32> to vector<8x2048xf32>
      %eq3A_71 = arith.cmpf oeq, %min3A, %eq3A_70 : vector<8x2048xf32>
      %jit3A_72 = arith.constant 2048 : i32
      %broadcast_in_dim3A_73 = vector.broadcast %jit3A_72 : i32 to vector<8x2048xi32>
      %select_n3A_74 = arith.select %eq3A_71, %iota3A, %broadcast_in_dim3A_73 : vector<8x2048xi1>, vector<8x2048xi32>
      %reduce_min3A = arith.constant dense<2147483647> : vector<8xi32>
      %reduce_min3A_75 = vector.multi_reduction <minsi>, %select_n3A_74, %reduce_min3A [1] : vector<8x2048xi32> to vector<8xi32>
      %broadcast_in_dim3A_76 = vector.shape_cast %reduce_min3A_75 : vector<8xi32> to vector<8x1xi32>
      %eq3A_77 = vector.broadcast %scan3A_38 : i32 to vector<8x512xi32>
      %eq3A_78 = arith.cmpi eq, %iota3A_14, %eq3A_77 : vector<8x512xi32>
      %broadcast_in_dim3A_79 = vector.shape_cast %broadcast_in_dim3A_47 : vector<8x1xf32> to vector<8x1xf32>
      %broadcast_in_dim3A_80 = vector.broadcast %broadcast_in_dim3A_79 : vector<8x1xf32> to vector<8x512xf32>
      %select_n3A_81 = arith.select %eq3A_78, %broadcast_in_dim3A_80, %scan3A_41 : vector<8x512xi1>, vector<8x512xf32>
      %broadcast_in_dim3A_82 = vector.shape_cast %broadcast_in_dim3A_53 : vector<8x1xf32> to vector<8x1xf32>
      %broadcast_in_dim3A_83 = vector.broadcast %broadcast_in_dim3A_82 : vector<8x1xf32> to vector<8x512xf32>
      %select_n3A_84 = arith.select %eq3A_78, %broadcast_in_dim3A_83, %scan3A_42 : vector<8x512xi1>, vector<8x512xf32>
      %broadcast_in_dim3A_85 = vector.shape_cast %broadcast_in_dim3A_59 : vector<8x1xf32> to vector<8x1xf32>
      %broadcast_in_dim3A_86 = vector.broadcast %broadcast_in_dim3A_85 : vector<8x1xf32> to vector<8x512xf32>
      %select_n3A_87 = arith.select %eq3A_78, %broadcast_in_dim3A_86, %scan3A_43 : vector<8x512xi1>, vector<8x512xf32>
      scf.yield %min3A, %broadcast_in_dim3A_76, %select_n3A_81, %select_n3A_84, %select_n3A_87 : vector<8x2048xf32>, vector<8x1xi32>, vector<8x512xf32>, vector<8x512xf32>, vector<8x512xf32>
    }
    %scan3A_29 = arith.constant 512 : i32
    %swap3A = arith.constant 0 : index
    %swap3A_30 = arith.constant 0 : index
    %swap3A_31 = vector.load %arg2[%swap3A, %swap3A_30] : memref<8x512xf32, #tpu.memory_space<vmem>>, vector<8x512xf32>
    tpu.vector_store %arg2[%swap3A, %swap3A_30], %scan3A_28#2 {strides = array<i32>} : memref<8x512xf32, #tpu.memory_space<vmem>>, vector<8x512xf32>,
    %swap3A_32 = arith.constant 0 : index
    %swap3A_33 = arith.constant 0 : index
    %swap3A_34 = vector.load %arg3[%swap3A_32, %swap3A_33] : memref<8x512xf32, #tpu.memory_space<vmem>>, vector<8x512xf32>
    tpu.vector_store %arg3[%swap3A_32, %swap3A_33], %scan3A_28#3 {strides = array<i32>} : memref<8x512xf32, #tpu.memory_space<vmem>>, vector<8x512xf32>,
    %swap3A_35 = arith.constant 0 : index
    %swap3A_36 = arith.constant 0 : index
    %swap3A_37 = vector.load %arg4[%swap3A_35, %swap3A_36] : memref<8x512xf32, #tpu.memory_space<vmem>>, vector<8x512xf32>
    tpu.vector_store %arg4[%swap3A_35, %swap3A_36], %scan3A_28#4 {strides = array<i32>} : memref<8x512xf32, #tpu.memory_space<vmem>>, vector<8x512xf32>,
    return
  }
}

module attributes {stable_mosaic.version = 14 : i64} {
  func.func @_table_body(%arg0: i32, %arg1: memref<2048x131xf32, #tpu.memory_space<vmem>>, %arg2: memref<131x128xf32, #tpu.memory_space<vmem>>, %arg3: memref<2048x128xf32, #tpu.memory_space<vmem>>) attributes {dimension_semantics = [#tpu.dimension_semantics<arbitrary>], iteration_bounds = array<i64: 8>, scalar_prefetch = 0 : i64, scratch_operands = 0 : i64, tpu.core_type = #tpu.core_type<tc>, window_params = [{transform_indices = @transform_0, window_bounds = array<i64: 2048, 131>}, {pipeline_mode = #tpu.pipeline_mode<synchronous>, transform_indices = @transform_1, window_bounds = array<i64: 131, 128>}, {transform_indices = @transform_2, window_bounds = array<i64: 2048, 128>}]} {
    %get3A = arith.constant 0 : index
    %get3A_0 = arith.constant 0 : index
    %get3A_1 = vector.load %arg1[%get3A, %get3A_0] : memref<2048x131xf32, #tpu.memory_space<vmem>>, vector<2048x131xf32>
    %get3A_2 = arith.constant 0 : index
    %get3A_3 = arith.constant 0 : index
    %get3A_4 = vector.load %arg2[%get3A_2, %get3A_3] : memref<131x128xf32, #tpu.memory_space<vmem>>, vector<131x128xf32>
    %dot_general3A = arith.constant dense<0.000000e+00> : vector<2048x128xf32>
    %dot_general3A_5 = tpu.matmul %get3A_1, %get3A_4, %dot_general3A {dimension_numbers = #tpu.dot_dimension_numbers<[1], [0], [0], [1], [0, 0, 1, 1], [], []>, transpose_lhs_hint = false} : vector<2048x131xf32>, vector<131x128xf32>, vector<2048x128xf32> -> vector<2048x128xf32>
    %swap3A = arith.constant 0 : index
    %swap3A_6 = arith.constant 0 : index
    %swap3A_7 = vector.load %arg3[%swap3A, %swap3A_6] : memref<2048x128xf32, #tpu.memory_space<vmem>>, vector<2048x128xf32>
    tpu.vector_store %arg3[%swap3A, %swap3A_6], %dot_general3A_5 {strides = array<i32>} : memref<2048x128xf32, #tpu.memory_space<vmem>>, vector<2048x128xf32>,
    return
  }
  func.func @transform_0(%arg0: i32) -> (i32, i32) {
    %c0_i32 = arith.constant 0 : i32
    %c0_i32_0 = arith.constant 0 : i32
    return %arg0, %c0_i32 : i32, i32
  }
  func.func @transform_1(%arg0: i32) -> (i32, i32) {
    %c0_i32 = arith.constant 0 : i32
    %c0_i32_0 = arith.constant 0 : i32
    %c0_i32_1 = arith.constant 0 : i32
    return %c0_i32, %c0_i32_0 : i32, i32
  }
  func.func @transform_2(%arg0: i32) -> (i32, i32) {
    %c0_i32 = arith.constant 0 : i32
    %c0_i32_0 = arith.constant 0 : i32
    return %arg0, %c0_i32 : i32, i32
  }
}

module attributes {stable_mosaic.version = 14 : i64} {
  func.func @_stats1_body(%arg0: i32, %arg1: memref<64x32x128xf32, #tpu.memory_space<vmem>>, %arg2: memref<64x3xf32, #tpu.memory_space<vmem>>, %arg3: memref<3x128xf32, #tpu.memory_space<vmem>>, %arg4: memref<1x128xf32, #tpu.memory_space<vmem>>, %arg5: memref<8x128xf32, #tpu.memory_space<vmem>>, %arg6: memref<8x128xf32, #tpu.memory_space<vmem>>) attributes {dimension_semantics = [#tpu.dimension_semantics<arbitrary>], iteration_bounds = array<i64: 64>, scalar_prefetch = 0 : i64, scratch_operands = 1 : i64, tpu.core_type = #tpu.core_type<tc>, window_params = [{transform_indices = @transform_0, window_bounds = array<i64: 64, 32, 128>}, {transform_indices = @transform_1, window_bounds = array<i64: 64, 3>}, {pipeline_mode = #tpu.pipeline_mode<synchronous>, transform_indices = @transform_2, window_bounds = array<i64: 3, 128>}, {pipeline_mode = #tpu.pipeline_mode<synchronous>, transform_indices = @transform_3, window_bounds = array<i64: 1, 128>}, {pipeline_mode = #tpu.pipeline_mode<synchronous>, transform_indices = @transform_4, window_bounds = array<i64: 8, 128>}]} {
    %get3A = arith.constant 0 : index
    %get3A_0 = arith.constant 0 : index
    %get3A_1 = vector.load %arg2[%get3A, %get3A_0] : memref<64x3xf32, #tpu.memory_space<vmem>>, vector<64x3xf32>
    %get3A_2 = arith.constant 0 : index
    %get3A_3 = arith.constant 0 : index
    %get3A_4 = vector.load %arg3[%get3A_2, %get3A_3] : memref<3x128xf32, #tpu.memory_space<vmem>>, vector<3x128xf32>
    %dot_general3A = arith.constant dense<0.000000e+00> : vector<64x128xf32>
    %dot_general3A_5 = tpu.matmul %get3A_1, %get3A_4, %dot_general3A {dimension_numbers = #tpu.dot_dimension_numbers<[1], [0], [0], [1], [0, 0, 1, 1], [], []>, transpose_lhs_hint = false} : vector<64x3xf32>, vector<3x128xf32>, vector<64x128xf32> -> vector<64x128xf32>
    %get3A_6 = arith.constant 0 : index
    %get3A_7 = arith.constant 0 : index
    %get3A_8 = arith.constant 0 : index
    %get3A_9 = vector.load %arg1[%get3A_6, %get3A_7, %get3A_8] : memref<64x32x128xf32, #tpu.memory_space<vmem>>, vector<64x32x128xf32>
    %broadcast_in_dim3A = vector.shape_cast %dot_general3A_5 : vector<64x128xf32> to vector<64x1x128xf32>
    %sub3A = vector.broadcast %broadcast_in_dim3A : vector<64x1x128xf32> to vector<64x32x128xf32>
    %sub3A_10 = arith.subf %get3A_9, %sub3A : vector<64x32x128xf32>
    %get3A_11 = arith.constant 0 : index
    %get3A_12 = arith.constant 0 : index
    %get3A_13 = vector.load %arg4[%get3A_11, %get3A_12] : memref<1x128xf32, #tpu.memory_space<vmem>>, vector<1x128xf32>
    %broadcast_in_dim3A_14 = vector.shape_cast %get3A_13 : vector<1x128xf32> to vector<1x1x128xf32>
    %add3A = vector.broadcast %broadcast_in_dim3A_14 : vector<1x1x128xf32> to vector<64x32x128xf32>
    %add3A_15 = arith.addf %sub3A_10, %add3A : vector<64x32x128xf32>
    %eq3A = arith.constant 0 : i32
    %eq3A_16 = arith.cmpi eq, %arg0, %eq3A : i32
    %convert_element_type3A = arith.extui %eq3A_16 : i1 to i32
    %cond3A = arith.constant 0 : i32
    %cond3A_17 = arith.cmpi ne, %convert_element_type3A, %cond3A : i32
    scf.if %cond3A_17 {
      %broadcast_in_dim3A_41 = arith.constant 0.000000e+00 : f32
      %broadcast_in_dim3A_42 = vector.broadcast %broadcast_in_dim3A_41 : f32 to vector<8x128xf32>
      %swap3A_43 = arith.constant 0 : index
      %swap3A_44 = arith.constant 0 : index
      %swap3A_45 = vector.load %arg6[%swap3A_43, %swap3A_44] : memref<8x128xf32, #tpu.memory_space<vmem>>, vector<8x128xf32>
      tpu.vector_store %arg6[%swap3A_43, %swap3A_44], %broadcast_in_dim3A_42 {strides = array<i32>} : memref<8x128xf32, #tpu.memory_space<vmem>>, vector<8x128xf32>,
    } else {
    }
    %reduce_sum3A = arith.constant dense<0.000000e+00> : vector<128xf32>
    %reduce_sum3A_18 = vector.multi_reduction <add>, %add3A_15, %reduce_sum3A [0, 1] : vector<64x32x128xf32> to vector<128xf32>
    %mul3A = arith.mulf %add3A_15, %add3A_15 : vector<64x32x128xf32>
    %reduce_sum3A_19 = arith.constant dense<0.000000e+00> : vector<128xf32>
    %reduce_sum3A_20 = vector.multi_reduction <add>, %mul3A, %reduce_sum3A_19 [0, 1] : vector<64x32x128xf32> to vector<128xf32>
    %get3A_21 = arith.constant 0 : index
    %get3A_22 = arith.constant 0 : index
    %get3A_23 = vector.load %arg6[%get3A_21, %get3A_22] : memref<8x128xf32, #tpu.memory_space<vmem>>, vector<1x128xf32>
    %broadcast_in_dim3A_24 = vector.shape_cast %reduce_sum3A_18 : vector<128xf32> to vector<1x128xf32>
    %add3A_25 = arith.addf %get3A_23, %broadcast_in_dim3A_24 : vector<1x128xf32>
    %swap3A = arith.constant 0 : index
    %swap3A_26 = arith.constant 0 : index
    %swap3A_27 = vector.load %arg6[%swap3A, %swap3A_26] : memref<8x128xf32, #tpu.memory_space<vmem>>, vector<1x128xf32>
    tpu.vector_store %arg6[%swap3A, %swap3A_26], %add3A_25 {strides = array<i32>} : memref<8x128xf32, #tpu.memory_space<vmem>>, vector<1x128xf32>,
    %get3A_28 = arith.constant 1 : index
    %get3A_29 = arith.constant 0 : index
    %get3A_30 = vector.load %arg6[%get3A_28, %get3A_29] : memref<8x128xf32, #tpu.memory_space<vmem>>, vector<1x128xf32>
    %broadcast_in_dim3A_31 = vector.shape_cast %reduce_sum3A_20 : vector<128xf32> to vector<1x128xf32>
    %add3A_32 = arith.addf %get3A_30, %broadcast_in_dim3A_31 : vector<1x128xf32>
    %swap3A_33 = arith.constant 1 : index
    %swap3A_34 = arith.constant 0 : index
    %swap3A_35 = vector.load %arg6[%swap3A_33, %swap3A_34] : memref<8x128xf32, #tpu.memory_space<vmem>>, vector<1x128xf32>
    tpu.vector_store %arg6[%swap3A_33, %swap3A_34], %add3A_32 {strides = array<i32>} : memref<8x128xf32, #tpu.memory_space<vmem>>, vector<1x128xf32>,
    %eq3A_36 = arith.constant 63 : i32
    %eq3A_37 = arith.cmpi eq, %arg0, %eq3A_36 : i32
    %convert_element_type3A_38 = arith.extui %eq3A_37 : i1 to i32
    %cond3A_39 = arith.constant 0 : i32
    %cond3A_40 = arith.cmpi ne, %convert_element_type3A_38, %cond3A_39 : i32
    scf.if %cond3A_40 {
      %get3A_41 = arith.constant 0 : index
      %get3A_42 = arith.constant 0 : index
      %get3A_43 = vector.load %arg6[%get3A_41, %get3A_42] : memref<8x128xf32, #tpu.memory_space<vmem>>, vector<8x128xf32>
      %swap3A_44 = arith.constant 0 : index
      %swap3A_45 = arith.constant 0 : index
      %swap3A_46 = vector.load %arg5[%swap3A_44, %swap3A_45] : memref<8x128xf32, #tpu.memory_space<vmem>>, vector<8x128xf32>
      tpu.vector_store %arg5[%swap3A_44, %swap3A_45], %get3A_43 {strides = array<i32>} : memref<8x128xf32, #tpu.memory_space<vmem>>, vector<8x128xf32>,
    } else {
    }
    return
  }
  func.func @transform_0(%arg0: i32) -> (i32, i32, i32) {
    %c0_i32 = arith.constant 0 : i32
    %c0_i32_0 = arith.constant 0 : i32
    %c0_i32_1 = arith.constant 0 : i32
    return %arg0, %c0_i32, %c0_i32_0 : i32, i32, i32
  }
  func.func @transform_1(%arg0: i32) -> (i32, i32) {
    %c0_i32 = arith.constant 0 : i32
    %c0_i32_0 = arith.constant 0 : i32
    return %arg0, %c0_i32 : i32, i32
  }
  func.func @transform_2(%arg0: i32) -> (i32, i32) {
    %c0_i32 = arith.constant 0 : i32
    %c0_i32_0 = arith.constant 0 : i32
    %c0_i32_1 = arith.constant 0 : i32
    return %c0_i32, %c0_i32_0 : i32, i32
  }
  func.func @transform_3(%arg0: i32) -> (i32, i32) {
    %c0_i32 = arith.constant 0 : i32
    %c0_i32_0 = arith.constant 0 : i32
    %c0_i32_1 = arith.constant 0 : i32
    return %c0_i32, %c0_i32_0 : i32, i32
  }
  func.func @transform_4(%arg0: i32) -> (i32, i32) {
    %c0_i32 = arith.constant 0 : i32
    %c0_i32_0 = arith.constant 0 : i32
    %c0_i32_1 = arith.constant 0 : i32
    return %c0_i32, %c0_i32_0 : i32, i32
  }
}

module attributes {stable_mosaic.version = 14 : i64} {
  func.func @_layer2_body(%arg0: i32, %arg1: memref<64x32x128xf32, #tpu.memory_space<vmem>>, %arg2: memref<64x3xf32, #tpu.memory_space<vmem>>, %arg3: memref<3x128xf32, #tpu.memory_space<vmem>>, %arg4: memref<1x128xf32, #tpu.memory_space<vmem>>, %arg5: memref<8x128xf32, #tpu.memory_space<vmem>>, %arg6: memref<1x128xf32, #tpu.memory_space<vmem>>, %arg7: memref<1x128xf32, #tpu.memory_space<vmem>>, %arg8: memref<128x128xf32, #tpu.memory_space<vmem>>, %arg9: memref<1x128xf32, #tpu.memory_space<vmem>>, %arg10: memref<64x32x128xf32, #tpu.memory_space<vmem>>, %arg11: memref<8x128xf32, #tpu.memory_space<vmem>>, %arg12: memref<8x128xf32, #tpu.memory_space<vmem>>) attributes {dimension_semantics = [#tpu.dimension_semantics<arbitrary>], iteration_bounds = array<i64: 64>, scalar_prefetch = 0 : i64, scratch_operands = 1 : i64, tpu.core_type = #tpu.core_type<tc>, window_params = [{transform_indices = @transform_0, window_bounds = array<i64: 64, 32, 128>}, {transform_indices = @transform_1, window_bounds = array<i64: 64, 3>}, {pipeline_mode = #tpu.pipeline_mode<synchronous>, transform_indices = @transform_2, window_bounds = array<i64: 3, 128>}, {pipeline_mode = #tpu.pipeline_mode<synchronous>, transform_indices = @transform_3, window_bounds = array<i64: 1, 128>}, {pipeline_mode = #tpu.pipeline_mode<synchronous>, transform_indices = @transform_4, window_bounds = array<i64: 8, 128>}, {pipeline_mode = #tpu.pipeline_mode<synchronous>, transform_indices = @transform_5, window_bounds = array<i64: 1, 128>}, {pipeline_mode = #tpu.pipeline_mode<synchronous>, transform_indices = @transform_6, window_bounds = array<i64: 1, 128>}, {pipeline_mode = #tpu.pipeline_mode<synchronous>, transform_indices = @transform_7, window_bounds = array<i64: 128, 128>}, {pipeline_mode = #tpu.pipeline_mode<synchronous>, transform_indices = @transform_8, window_bounds = array<i64: 1, 128>}, {transform_indices = @transform_9, window_bounds = array<i64: 64, 32, 128>}, {pipeline_mode = #tpu.pipeline_mode<synchronous>, transform_indices = @transform_10, window_bounds = array<i64: 8, 128>}]} {
    %get3A = arith.constant 0 : index
    %get3A_0 = arith.constant 0 : index
    %get3A_1 = vector.load %arg2[%get3A, %get3A_0] : memref<64x3xf32, #tpu.memory_space<vmem>>, vector<64x3xf32>
    %get3A_2 = arith.constant 0 : index
    %get3A_3 = arith.constant 0 : index
    %get3A_4 = vector.load %arg3[%get3A_2, %get3A_3] : memref<3x128xf32, #tpu.memory_space<vmem>>, vector<3x128xf32>
    %dot_general3A = arith.constant dense<0.000000e+00> : vector<64x128xf32>
    %dot_general3A_5 = tpu.matmul %get3A_1, %get3A_4, %dot_general3A {dimension_numbers = #tpu.dot_dimension_numbers<[1], [0], [0], [1], [0, 0, 1, 1], [], []>, transpose_lhs_hint = false} : vector<64x3xf32>, vector<3x128xf32>, vector<64x128xf32> -> vector<64x128xf32>
    %get3A_6 = arith.constant 0 : index
    %get3A_7 = arith.constant 0 : index
    %get3A_8 = arith.constant 0 : index
    %get3A_9 = vector.load %arg1[%get3A_6, %get3A_7, %get3A_8] : memref<64x32x128xf32, #tpu.memory_space<vmem>>, vector<64x32x128xf32>
    %broadcast_in_dim3A = vector.shape_cast %dot_general3A_5 : vector<64x128xf32> to vector<64x1x128xf32>
    %sub3A = vector.broadcast %broadcast_in_dim3A : vector<64x1x128xf32> to vector<64x32x128xf32>
    %sub3A_10 = arith.subf %get3A_9, %sub3A : vector<64x32x128xf32>
    %get3A_11 = arith.constant 0 : index
    %get3A_12 = arith.constant 0 : index
    %get3A_13 = vector.load %arg4[%get3A_11, %get3A_12] : memref<1x128xf32, #tpu.memory_space<vmem>>, vector<1x128xf32>
    %broadcast_in_dim3A_14 = vector.shape_cast %get3A_13 : vector<1x128xf32> to vector<1x1x128xf32>
    %add3A = vector.broadcast %broadcast_in_dim3A_14 : vector<1x1x128xf32> to vector<64x32x128xf32>
    %add3A_15 = arith.addf %sub3A_10, %add3A : vector<64x32x128xf32>
    %get3A_16 = arith.constant 0 : index
    %get3A_17 = arith.constant 0 : index
    %get3A_18 = vector.load %arg5[%get3A_16, %get3A_17] : memref<8x128xf32, #tpu.memory_space<vmem>>, vector<1x128xf32>
    %mul3A = arith.constant 7.62939453E-6 : f32
    %mul3A_19 = vector.broadcast %mul3A : f32 to vector<1x128xf32>
    %mul3A_20 = arith.mulf %get3A_18, %mul3A_19 : vector<1x128xf32>
    %get3A_21 = arith.constant 1 : index
    %get3A_22 = arith.constant 0 : index
    %get3A_23 = vector.load %arg5[%get3A_21, %get3A_22] : memref<8x128xf32, #tpu.memory_space<vmem>>, vector<1x128xf32>
    %mul3A_24 = arith.constant 7.62939453E-6 : f32
    %mul3A_25 = vector.broadcast %mul3A_24 : f32 to vector<1x128xf32>
    %mul3A_26 = arith.mulf %get3A_23, %mul3A_25 : vector<1x128xf32>
    %mul3A_27 = arith.mulf %mul3A_20, %mul3A_20 : vector<1x128xf32>
    %sub3A_28 = arith.subf %mul3A_26, %mul3A_27 : vector<1x128xf32>
    %broadcast_in_dim3A_29 = vector.shape_cast %mul3A_20 : vector<1x128xf32> to vector<1x1x128xf32>
    %sub3A_30 = vector.broadcast %broadcast_in_dim3A_29 : vector<1x1x128xf32> to vector<64x32x128xf32>
    %sub3A_31 = arith.subf %add3A_15, %sub3A_30 : vector<64x32x128xf32>
    %broadcast_in_dim3A_32 = vector.shape_cast %sub3A_28 : vector<1x128xf32> to vector<1x1x128xf32>
    %add3A_33 = arith.constant 9.99999974E-6 : f32
    %add3A_34 = vector.broadcast %add3A_33 : f32 to vector<1x1x128xf32>
    %add3A_35 = arith.addf %broadcast_in_dim3A_32, %add3A_34 : vector<1x1x128xf32>
    %rsqrt3A = math.rsqrt %add3A_35 : vector<1x1x128xf32>
    %mul3A_36 = vector.broadcast %rsqrt3A : vector<1x1x128xf32> to vector<64x32x128xf32>
    %mul3A_37 = arith.mulf %sub3A_31, %mul3A_36 : vector<64x32x128xf32>
    %get3A_38 = arith.constant 0 : index
    %get3A_39 = arith.constant 0 : index
    %get3A_40 = vector.load %arg6[%get3A_38, %get3A_39] : memref<1x128xf32, #tpu.memory_space<vmem>>, vector<1x128xf32>
    %broadcast_in_dim3A_41 = vector.shape_cast %get3A_40 : vector<1x128xf32> to vector<1x1x128xf32>
    %mul3A_42 = vector.broadcast %broadcast_in_dim3A_41 : vector<1x1x128xf32> to vector<64x32x128xf32>
    %mul3A_43 = arith.mulf %mul3A_37, %mul3A_42 : vector<64x32x128xf32>
    %get3A_44 = arith.constant 0 : index
    %get3A_45 = arith.constant 0 : index
    %get3A_46 = vector.load %arg7[%get3A_44, %get3A_45] : memref<1x128xf32, #tpu.memory_space<vmem>>, vector<1x128xf32>
    %broadcast_in_dim3A_47 = vector.shape_cast %get3A_46 : vector<1x128xf32> to vector<1x1x128xf32>
    %add3A_48 = vector.broadcast %broadcast_in_dim3A_47 : vector<1x1x128xf32> to vector<64x32x128xf32>
    %add3A_49 = arith.addf %mul3A_43, %add3A_48 : vector<64x32x128xf32>
    %max3A = arith.constant 0.000000e+00 : f32
    %max3A_50 = vector.broadcast %max3A : f32 to vector<64x32x128xf32>
    %max3A_51 = arith.maximumf %add3A_49, %max3A_50 : vector<64x32x128xf32>
    %reshape3A = vector.shape_cast %max3A_51 : vector<64x32x128xf32> to vector<2048x128xf32>
    %get3A_52 = arith.constant 0 : index
    %get3A_53 = arith.constant 0 : index
    %get3A_54 = vector.load %arg8[%get3A_52, %get3A_53] : memref<128x128xf32, #tpu.memory_space<vmem>>, vector<128x128xf32>
    %dot_general3A_55 = arith.constant dense<0.000000e+00> : vector<2048x128xf32>
    %dot_general3A_56 = tpu.matmul %reshape3A, %get3A_54, %dot_general3A_55 {dimension_numbers = #tpu.dot_dimension_numbers<[1], [0], [0], [1], [0, 0, 1, 1], [], []>, transpose_lhs_hint = false} : vector<2048x128xf32>, vector<128x128xf32>, vector<2048x128xf32> -> vector<2048x128xf32>
    %get3A_57 = arith.constant 0 : index
    %get3A_58 = arith.constant 0 : index
    %get3A_59 = vector.load %arg9[%get3A_57, %get3A_58] : memref<1x128xf32, #tpu.memory_space<vmem>>, vector<1x128xf32>
    %add3A_60 = vector.broadcast %get3A_59 : vector<1x128xf32> to vector<2048x128xf32>
    %add3A_61 = arith.addf %dot_general3A_56, %add3A_60 : vector<2048x128xf32>
    %reshape3A_62 = vector.shape_cast %add3A_61 : vector<2048x128xf32> to vector<64x32x128xf32>
    %eq3A = arith.constant 0 : i32
    %eq3A_63 = arith.cmpi eq, %arg0, %eq3A : i32
    %convert_element_type3A = arith.extui %eq3A_63 : i1 to i32
    %cond3A = arith.constant 0 : i32
    %cond3A_64 = arith.cmpi ne, %convert_element_type3A, %cond3A : i32
    scf.if %cond3A_64 {
      %broadcast_in_dim3A_93 = arith.constant 0.000000e+00 : f32
      %broadcast_in_dim3A_94 = vector.broadcast %broadcast_in_dim3A_93 : f32 to vector<8x128xf32>
      %swap3A_95 = arith.constant 0 : index
      %swap3A_96 = arith.constant 0 : index
      %swap3A_97 = vector.load %arg12[%swap3A_95, %swap3A_96] : memref<8x128xf32, #tpu.memory_space<vmem>>, vector<8x128xf32>
      tpu.vector_store %arg12[%swap3A_95, %swap3A_96], %broadcast_in_dim3A_94 {strides = array<i32>} : memref<8x128xf32, #tpu.memory_space<vmem>>, vector<8x128xf32>,
    } else {
    }
    %reduce_sum3A = arith.constant dense<0.000000e+00> : vector<128xf32>
    %reduce_sum3A_65 = vector.multi_reduction <add>, %reshape3A_62, %reduce_sum3A [0, 1] : vector<64x32x128xf32> to vector<128xf32>
    %mul3A_66 = arith.mulf %reshape3A_62, %reshape3A_62 : vector<64x32x128xf32>
    %reduce_sum3A_67 = arith.constant dense<0.000000e+00> : vector<128xf32>
    %reduce_sum3A_68 = vector.multi_reduction <add>, %mul3A_66, %reduce_sum3A_67 [0, 1] : vector<64x32x128xf32> to vector<128xf32>
    %get3A_69 = arith.constant 0 : index
    %get3A_70 = arith.constant 0 : index
    %get3A_71 = vector.load %arg12[%get3A_69, %get3A_70] : memref<8x128xf32, #tpu.memory_space<vmem>>, vector<1x128xf32>
    %broadcast_in_dim3A_72 = vector.shape_cast %reduce_sum3A_65 : vector<128xf32> to vector<1x128xf32>
    %add3A_73 = arith.addf %get3A_71, %broadcast_in_dim3A_72 : vector<1x128xf32>
    %swap3A = arith.constant 0 : index
    %swap3A_74 = arith.constant 0 : index
    %swap3A_75 = vector.load %arg12[%swap3A, %swap3A_74] : memref<8x128xf32, #tpu.memory_space<vmem>>, vector<1x128xf32>
    tpu.vector_store %arg12[%swap3A, %swap3A_74], %add3A_73 {strides = array<i32>} : memref<8x128xf32, #tpu.memory_space<vmem>>, vector<1x128xf32>,
    %get3A_76 = arith.constant 1 : index
    %get3A_77 = arith.constant 0 : index
    %get3A_78 = vector.load %arg12[%get3A_76, %get3A_77] : memref<8x128xf32, #tpu.memory_space<vmem>>, vector<1x128xf32>
    %broadcast_in_dim3A_79 = vector.shape_cast %reduce_sum3A_68 : vector<128xf32> to vector<1x128xf32>
    %add3A_80 = arith.addf %get3A_78, %broadcast_in_dim3A_79 : vector<1x128xf32>
    %swap3A_81 = arith.constant 1 : index
    %swap3A_82 = arith.constant 0 : index
    %swap3A_83 = vector.load %arg12[%swap3A_81, %swap3A_82] : memref<8x128xf32, #tpu.memory_space<vmem>>, vector<1x128xf32>
    tpu.vector_store %arg12[%swap3A_81, %swap3A_82], %add3A_80 {strides = array<i32>} : memref<8x128xf32, #tpu.memory_space<vmem>>, vector<1x128xf32>,
    %eq3A_84 = arith.constant 63 : i32
    %eq3A_85 = arith.cmpi eq, %arg0, %eq3A_84 : i32
    %convert_element_type3A_86 = arith.extui %eq3A_85 : i1 to i32
    %cond3A_87 = arith.constant 0 : i32
    %cond3A_88 = arith.cmpi ne, %convert_element_type3A_86, %cond3A_87 : i32
    scf.if %cond3A_88 {
      %get3A_93 = arith.constant 0 : index
      %get3A_94 = arith.constant 0 : index
      %get3A_95 = vector.load %arg12[%get3A_93, %get3A_94] : memref<8x128xf32, #tpu.memory_space<vmem>>, vector<8x128xf32>
      %swap3A_96 = arith.constant 0 : index
      %swap3A_97 = arith.constant 0 : index
      %swap3A_98 = vector.load %arg11[%swap3A_96, %swap3A_97] : memref<8x128xf32, #tpu.memory_space<vmem>>, vector<8x128xf32>
      tpu.vector_store %arg11[%swap3A_96, %swap3A_97], %get3A_95 {strides = array<i32>} : memref<8x128xf32, #tpu.memory_space<vmem>>, vector<8x128xf32>,
    } else {
    }
    %swap3A_89 = arith.constant 0 : index
    %swap3A_90 = arith.constant 0 : index
    %swap3A_91 = arith.constant 0 : index
    %swap3A_92 = vector.load %arg10[%swap3A_89, %swap3A_90, %swap3A_91] : memref<64x32x128xf32, #tpu.memory_space<vmem>>, vector<64x32x128xf32>
    tpu.vector_store %arg10[%swap3A_89, %swap3A_90, %swap3A_91], %reshape3A_62 {strides = array<i32>} : memref<64x32x128xf32, #tpu.memory_space<vmem>>, vector<64x32x128xf32>,
    return
  }
  func.func @transform_0(%arg0: i32) -> (i32, i32, i32) {
    %c0_i32 = arith.constant 0 : i32
    %c0_i32_0 = arith.constant 0 : i32
    %c0_i32_1 = arith.constant 0 : i32
    return %arg0, %c0_i32, %c0_i32_0 : i32, i32, i32
  }
  func.func @transform_1(%arg0: i32) -> (i32, i32) {
    %c0_i32 = arith.constant 0 : i32
    %c0_i32_0 = arith.constant 0 : i32
    return %arg0, %c0_i32 : i32, i32
  }
  func.func @transform_2(%arg0: i32) -> (i32, i32) {
    %c0_i32 = arith.constant 0 : i32
    %c0_i32_0 = arith.constant 0 : i32
    %c0_i32_1 = arith.constant 0 : i32
    return %c0_i32, %c0_i32_0 : i32, i32
  }
  func.func @transform_3(%arg0: i32) -> (i32, i32) {
    %c0_i32 = arith.constant 0 : i32
    %c0_i32_0 = arith.constant 0 : i32
    %c0_i32_1 = arith.constant 0 : i32
    return %c0_i32, %c0_i32_0 : i32, i32
  }
  func.func @transform_4(%arg0: i32) -> (i32, i32) {
    %c0_i32 = arith.constant 0 : i32
    %c0_i32_0 = arith.constant 0 : i32
    %c0_i32_1 = arith.constant 0 : i32
    return %c0_i32, %c0_i32_0 : i32, i32
  }
  func.func @transform_5(%arg0: i32) -> (i32, i32) {
    %c0_i32 = arith.constant 0 : i32
    %c0_i32_0 = arith.constant 0 : i32
    %c0_i32_1 = arith.constant 0 : i32
    return %c0_i32, %c0_i32_0 : i32, i32
  }
  func.func @transform_6(%arg0: i32) -> (i32, i32) {
    %c0_i32 = arith.constant 0 : i32
    %c0_i32_0 = arith.constant 0 : i32
    %c0_i32_1 = arith.constant 0 : i32
    return %c0_i32, %c0_i32_0 : i32, i32
  }
  func.func @transform_7(%arg0: i32) -> (i32, i32) {
    %c0_i32 = arith.constant 0 : i32
    %c0_i32_0 = arith.constant 0 : i32
    %c0_i32_1 = arith.constant 0 : i32
    return %c0_i32, %c0_i32_0 : i32, i32
  }
  func.func @transform_8(%arg0: i32) -> (i32, i32) {
    %c0_i32 = arith.constant 0 : i32
    %c0_i32_0 = arith.constant 0 : i32
    %c0_i32_1 = arith.constant 0 : i32
    return %c0_i32, %c0_i32_0 : i32, i32
  }
  func.func @transform_9(%arg0: i32) -> (i32, i32, i32) {
    %c0_i32 = arith.constant 0 : i32
    %c0_i32_0 = arith.constant 0 : i32
    %c0_i32_1 = arith.constant 0 : i32
    return %arg0, %c0_i32, %c0_i32_0 : i32, i32, i32
  }
  func.func @transform_10(%arg0: i32) -> (i32, i32) {
    %c0_i32 = arith.constant 0 : i32
    %c0_i32_0 = arith.constant 0 : i32
    %c0_i32_1 = arith.constant 0 : i32
    return %c0_i32, %c0_i32_0 : i32, i32
  }
}

module attributes {stable_mosaic.version = 14 : i64} {
  func.func @_layer3_body(%arg0: i32, %arg1: memref<64x32x128xf32, #tpu.memory_space<vmem>>, %arg2: memref<8x128xf32, #tpu.memory_space<vmem>>, %arg3: memref<1x128xf32, #tpu.memory_space<vmem>>, %arg4: memref<1x128xf32, #tpu.memory_space<vmem>>, %arg5: memref<128x256xf32, #tpu.memory_space<vmem>>, %arg6: memref<1x256xf32, #tpu.memory_space<vmem>>, %arg7: memref<64x32x256xf32, #tpu.memory_space<vmem>>, %arg8: memref<8x256xf32, #tpu.memory_space<vmem>>, %arg9: memref<8x256xf32, #tpu.memory_space<vmem>>) attributes {dimension_semantics = [#tpu.dimension_semantics<arbitrary>], iteration_bounds = array<i64: 64>, scalar_prefetch = 0 : i64, scratch_operands = 1 : i64, tpu.core_type = #tpu.core_type<tc>, window_params = [{transform_indices = @transform_0, window_bounds = array<i64: 64, 32, 128>}, {pipeline_mode = #tpu.pipeline_mode<synchronous>, transform_indices = @transform_1, window_bounds = array<i64: 8, 128>}, {pipeline_mode = #tpu.pipeline_mode<synchronous>, transform_indices = @transform_2, window_bounds = array<i64: 1, 128>}, {pipeline_mode = #tpu.pipeline_mode<synchronous>, transform_indices = @transform_3, window_bounds = array<i64: 1, 128>}, {pipeline_mode = #tpu.pipeline_mode<synchronous>, transform_indices = @transform_4, window_bounds = array<i64: 128, 256>}, {pipeline_mode = #tpu.pipeline_mode<synchronous>, transform_indices = @transform_5, window_bounds = array<i64: 1, 256>}, {transform_indices = @transform_6, window_bounds = array<i64: 64, 32, 256>}, {pipeline_mode = #tpu.pipeline_mode<synchronous>, transform_indices = @transform_7, window_bounds = array<i64: 8, 256>}]} {
    %get3A = arith.constant 0 : index
    %get3A_0 = arith.constant 0 : index
    %get3A_1 = arith.constant 0 : index
    %get3A_2 = vector.load %arg1[%get3A, %get3A_0, %get3A_1] : memref<64x32x128xf32, #tpu.memory_space<vmem>>, vector<64x32x128xf32>
    %get3A_3 = arith.constant 0 : index
    %get3A_4 = arith.constant 0 : index
    %get3A_5 = vector.load %arg2[%get3A_3, %get3A_4] : memref<8x128xf32, #tpu.memory_space<vmem>>, vector<1x128xf32>
    %mul3A = arith.constant 7.62939453E-6 : f32
    %mul3A_6 = vector.broadcast %mul3A : f32 to vector<1x128xf32>
    %mul3A_7 = arith.mulf %get3A_5, %mul3A_6 : vector<1x128xf32>
    %get3A_8 = arith.constant 1 : index
    %get3A_9 = arith.constant 0 : index
    %get3A_10 = vector.load %arg2[%get3A_8, %get3A_9] : memref<8x128xf32, #tpu.memory_space<vmem>>, vector<1x128xf32>
    %mul3A_11 = arith.constant 7.62939453E-6 : f32
    %mul3A_12 = vector.broadcast %mul3A_11 : f32 to vector<1x128xf32>
    %mul3A_13 = arith.mulf %get3A_10, %mul3A_12 : vector<1x128xf32>
    %mul3A_14 = arith.mulf %mul3A_7, %mul3A_7 : vector<1x128xf32>
    %sub3A = arith.subf %mul3A_13, %mul3A_14 : vector<1x128xf32>
    %broadcast_in_dim3A = vector.shape_cast %mul3A_7 : vector<1x128xf32> to vector<1x1x128xf32>
    %sub3A_15 = vector.broadcast %broadcast_in_dim3A : vector<1x1x128xf32> to vector<64x32x128xf32>
    %sub3A_16 = arith.subf %get3A_2, %sub3A_15 : vector<64x32x128xf32>
    %broadcast_in_dim3A_17 = vector.shape_cast %sub3A : vector<1x128xf32> to vector<1x1x128xf32>
    %add3A = arith.constant 9.99999974E-6 : f32
    %add3A_18 = vector.broadcast %add3A : f32 to vector<1x1x128xf32>
    %add3A_19 = arith.addf %broadcast_in_dim3A_17, %add3A_18 : vector<1x1x128xf32>
    %rsqrt3A = math.rsqrt %add3A_19 : vector<1x1x128xf32>
    %mul3A_20 = vector.broadcast %rsqrt3A : vector<1x1x128xf32> to vector<64x32x128xf32>
    %mul3A_21 = arith.mulf %sub3A_16, %mul3A_20 : vector<64x32x128xf32>
    %get3A_22 = arith.constant 0 : index
    %get3A_23 = arith.constant 0 : index
    %get3A_24 = vector.load %arg3[%get3A_22, %get3A_23] : memref<1x128xf32, #tpu.memory_space<vmem>>, vector<1x128xf32>
    %broadcast_in_dim3A_25 = vector.shape_cast %get3A_24 : vector<1x128xf32> to vector<1x1x128xf32>
    %mul3A_26 = vector.broadcast %broadcast_in_dim3A_25 : vector<1x1x128xf32> to vector<64x32x128xf32>
    %mul3A_27 = arith.mulf %mul3A_21, %mul3A_26 : vector<64x32x128xf32>
    %get3A_28 = arith.constant 0 : index
    %get3A_29 = arith.constant 0 : index
    %get3A_30 = vector.load %arg4[%get3A_28, %get3A_29] : memref<1x128xf32, #tpu.memory_space<vmem>>, vector<1x128xf32>
    %broadcast_in_dim3A_31 = vector.shape_cast %get3A_30 : vector<1x128xf32> to vector<1x1x128xf32>
    %add3A_32 = vector.broadcast %broadcast_in_dim3A_31 : vector<1x1x128xf32> to vector<64x32x128xf32>
    %add3A_33 = arith.addf %mul3A_27, %add3A_32 : vector<64x32x128xf32>
    %max3A = arith.constant 0.000000e+00 : f32
    %max3A_34 = vector.broadcast %max3A : f32 to vector<64x32x128xf32>
    %max3A_35 = arith.maximumf %add3A_33, %max3A_34 : vector<64x32x128xf32>
    %reshape3A = vector.shape_cast %max3A_35 : vector<64x32x128xf32> to vector<2048x128xf32>
    %get3A_36 = arith.constant 0 : index
    %get3A_37 = arith.constant 0 : index
    %get3A_38 = vector.load %arg5[%get3A_36, %get3A_37] : memref<128x256xf32, #tpu.memory_space<vmem>>, vector<128x256xf32>
    %dot_general3A = arith.constant dense<0.000000e+00> : vector<2048x256xf32>
    %dot_general3A_39 = tpu.matmul %reshape3A, %get3A_38, %dot_general3A {dimension_numbers = #tpu.dot_dimension_numbers<[1], [0], [0], [1], [0, 0, 1, 1], [], []>, transpose_lhs_hint = false} : vector<2048x128xf32>, vector<128x256xf32>, vector<2048x256xf32> -> vector<2048x256xf32>
    %get3A_40 = arith.constant 0 : index
    %get3A_41 = arith.constant 0 : index
    %get3A_42 = vector.load %arg6[%get3A_40, %get3A_41] : memref<1x256xf32, #tpu.memory_space<vmem>>, vector<1x256xf32>
    %add3A_43 = vector.broadcast %get3A_42 : vector<1x256xf32> to vector<2048x256xf32>
    %add3A_44 = arith.addf %dot_general3A_39, %add3A_43 : vector<2048x256xf32>
    %reshape3A_45 = vector.shape_cast %add3A_44 : vector<2048x256xf32> to vector<64x32x256xf32>
    %eq3A = arith.constant 0 : i32
    %eq3A_46 = arith.cmpi eq, %arg0, %eq3A : i32
    %convert_element_type3A = arith.extui %eq3A_46 : i1 to i32
    %cond3A = arith.constant 0 : i32
    %cond3A_47 = arith.cmpi ne, %convert_element_type3A, %cond3A : i32
    scf.if %cond3A_47 {
      %broadcast_in_dim3A_76 = arith.constant 0.000000e+00 : f32
      %broadcast_in_dim3A_77 = vector.broadcast %broadcast_in_dim3A_76 : f32 to vector<8x256xf32>
      %swap3A_78 = arith.constant 0 : index
      %swap3A_79 = arith.constant 0 : index
      %swap3A_80 = vector.load %arg9[%swap3A_78, %swap3A_79] : memref<8x256xf32, #tpu.memory_space<vmem>>, vector<8x256xf32>
      tpu.vector_store %arg9[%swap3A_78, %swap3A_79], %broadcast_in_dim3A_77 {strides = array<i32>} : memref<8x256xf32, #tpu.memory_space<vmem>>, vector<8x256xf32>,
    } else {
    }
    %reduce_sum3A = arith.constant dense<0.000000e+00> : vector<256xf32>
    %reduce_sum3A_48 = vector.multi_reduction <add>, %reshape3A_45, %reduce_sum3A [0, 1] : vector<64x32x256xf32> to vector<256xf32>
    %mul3A_49 = arith.mulf %reshape3A_45, %reshape3A_45 : vector<64x32x256xf32>
    %reduce_sum3A_50 = arith.constant dense<0.000000e+00> : vector<256xf32>
    %reduce_sum3A_51 = vector.multi_reduction <add>, %mul3A_49, %reduce_sum3A_50 [0, 1] : vector<64x32x256xf32> to vector<256xf32>
    %get3A_52 = arith.constant 0 : index
    %get3A_53 = arith.constant 0 : index
    %get3A_54 = vector.load %arg9[%get3A_52, %get3A_53] : memref<8x256xf32, #tpu.memory_space<vmem>>, vector<1x256xf32>
    %broadcast_in_dim3A_55 = vector.shape_cast %reduce_sum3A_48 : vector<256xf32> to vector<1x256xf32>
    %add3A_56 = arith.addf %get3A_54, %broadcast_in_dim3A_55 : vector<1x256xf32>
    %swap3A = arith.constant 0 : index
    %swap3A_57 = arith.constant 0 : index
    %swap3A_58 = vector.load %arg9[%swap3A, %swap3A_57] : memref<8x256xf32, #tpu.memory_space<vmem>>, vector<1x256xf32>
    tpu.vector_store %arg9[%swap3A, %swap3A_57], %add3A_56 {strides = array<i32>} : memref<8x256xf32, #tpu.memory_space<vmem>>, vector<1x256xf32>,
    %get3A_59 = arith.constant 1 : index
    %get3A_60 = arith.constant 0 : index
    %get3A_61 = vector.load %arg9[%get3A_59, %get3A_60] : memref<8x256xf32, #tpu.memory_space<vmem>>, vector<1x256xf32>
    %broadcast_in_dim3A_62 = vector.shape_cast %reduce_sum3A_51 : vector<256xf32> to vector<1x256xf32>
    %add3A_63 = arith.addf %get3A_61, %broadcast_in_dim3A_62 : vector<1x256xf32>
    %swap3A_64 = arith.constant 1 : index
    %swap3A_65 = arith.constant 0 : index
    %swap3A_66 = vector.load %arg9[%swap3A_64, %swap3A_65] : memref<8x256xf32, #tpu.memory_space<vmem>>, vector<1x256xf32>
    tpu.vector_store %arg9[%swap3A_64, %swap3A_65], %add3A_63 {strides = array<i32>} : memref<8x256xf32, #tpu.memory_space<vmem>>, vector<1x256xf32>,
    %eq3A_67 = arith.constant 63 : i32
    %eq3A_68 = arith.cmpi eq, %arg0, %eq3A_67 : i32
    %convert_element_type3A_69 = arith.extui %eq3A_68 : i1 to i32
    %cond3A_70 = arith.constant 0 : i32
    %cond3A_71 = arith.cmpi ne, %convert_element_type3A_69, %cond3A_70 : i32
    scf.if %cond3A_71 {
      %get3A_76 = arith.constant 0 : index
      %get3A_77 = arith.constant 0 : index
      %get3A_78 = vector.load %arg9[%get3A_76, %get3A_77] : memref<8x256xf32, #tpu.memory_space<vmem>>, vector<8x256xf32>
      %swap3A_79 = arith.constant 0 : index
      %swap3A_80 = arith.constant 0 : index
      %swap3A_81 = vector.load %arg8[%swap3A_79, %swap3A_80] : memref<8x256xf32, #tpu.memory_space<vmem>>, vector<8x256xf32>
      tpu.vector_store %arg8[%swap3A_79, %swap3A_80], %get3A_78 {strides = array<i32>} : memref<8x256xf32, #tpu.memory_space<vmem>>, vector<8x256xf32>,
    } else {
    }
    %swap3A_72 = arith.constant 0 : index
    %swap3A_73 = arith.constant 0 : index
    %swap3A_74 = arith.constant 0 : index
    %swap3A_75 = vector.load %arg7[%swap3A_72, %swap3A_73, %swap3A_74] : memref<64x32x256xf32, #tpu.memory_space<vmem>>, vector<64x32x256xf32>
    tpu.vector_store %arg7[%swap3A_72, %swap3A_73, %swap3A_74], %reshape3A_45 {strides = array<i32>} : memref<64x32x256xf32, #tpu.memory_space<vmem>>, vector<64x32x256xf32>,
    return
  }
  func.func @transform_0(%arg0: i32) -> (i32, i32, i32) {
    %c0_i32 = arith.constant 0 : i32
    %c0_i32_0 = arith.constant 0 : i32
    %c0_i32_1 = arith.constant 0 : i32
    return %arg0, %c0_i32, %c0_i32_0 : i32, i32, i32
  }
  func.func @transform_1(%arg0: i32) -> (i32, i32) {
    %c0_i32 = arith.constant 0 : i32
    %c0_i32_0 = arith.constant 0 : i32
    %c0_i32_1 = arith.constant 0 : i32
    return %c0_i32, %c0_i32_0 : i32, i32
  }
  func.func @transform_2(%arg0: i32) -> (i32, i32) {
    %c0_i32 = arith.constant 0 : i32
    %c0_i32_0 = arith.constant 0 : i32
    %c0_i32_1 = arith.constant 0 : i32
    return %c0_i32, %c0_i32_0 : i32, i32
  }
  func.func @transform_3(%arg0: i32) -> (i32, i32) {
    %c0_i32 = arith.constant 0 : i32
    %c0_i32_0 = arith.constant 0 : i32
    %c0_i32_1 = arith.constant 0 : i32
    return %c0_i32, %c0_i32_0 : i32, i32
  }
  func.func @transform_4(%arg0: i32) -> (i32, i32) {
    %c0_i32 = arith.constant 0 : i32
    %c0_i32_0 = arith.constant 0 : i32
    %c0_i32_1 = arith.constant 0 : i32
    return %c0_i32, %c0_i32_0 : i32, i32
  }
  func.func @transform_5(%arg0: i32) -> (i32, i32) {
    %c0_i32 = arith.constant 0 : i32
    %c0_i32_0 = arith.constant 0 : i32
    %c0_i32_1 = arith.constant 0 : i32
    return %c0_i32, %c0_i32_0 : i32, i32
  }
  func.func @transform_6(%arg0: i32) -> (i32, i32, i32) {
    %c0_i32 = arith.constant 0 : i32
    %c0_i32_0 = arith.constant 0 : i32
    %c0_i32_1 = arith.constant 0 : i32
    return %arg0, %c0_i32, %c0_i32_0 : i32, i32, i32
  }
  func.func @transform_7(%arg0: i32) -> (i32, i32) {
    %c0_i32 = arith.constant 0 : i32
    %c0_i32_0 = arith.constant 0 : i32
    %c0_i32_1 = arith.constant 0 : i32
    return %c0_i32, %c0_i32_0 : i32, i32
  }
}

module attributes {stable_mosaic.version = 14 : i64} {
  func.func @_final_body(%arg0: i32, %arg1: memref<64x32x256xf32, #tpu.memory_space<vmem>>, %arg2: memref<8x256xf32, #tpu.memory_space<vmem>>, %arg3: memref<1x256xf32, #tpu.memory_space<vmem>>, %arg4: memref<1x256xf32, #tpu.memory_space<vmem>>, %arg5: memref<64x256xf32, #tpu.memory_space<vmem>>) attributes {dimension_semantics = [#tpu.dimension_semantics<arbitrary>], iteration_bounds = array<i64: 64>, scalar_prefetch = 0 : i64, scratch_operands = 0 : i64, tpu.core_type = #tpu.core_type<tc>, window_params = [{transform_indices = @transform_0, window_bounds = array<i64: 64, 32, 256>}, {pipeline_mode = #tpu.pipeline_mode<synchronous>, transform_indices = @transform_1, window_bounds = array<i64: 8, 256>}, {pipeline_mode = #tpu.pipeline_mode<synchronous>, transform_indices = @transform_2, window_bounds = array<i64: 1, 256>}, {pipeline_mode = #tpu.pipeline_mode<synchronous>, transform_indices = @transform_3, window_bounds = array<i64: 1, 256>}, {transform_indices = @transform_4, window_bounds = array<i64: 64, 256>}]} {
    %get3A = arith.constant 0 : index
    %get3A_0 = arith.constant 0 : index
    %get3A_1 = arith.constant 0 : index
    %get3A_2 = vector.load %arg1[%get3A, %get3A_0, %get3A_1] : memref<64x32x256xf32, #tpu.memory_space<vmem>>, vector<64x32x256xf32>
    %get3A_3 = arith.constant 0 : index
    %get3A_4 = arith.constant 0 : index
    %get3A_5 = vector.load %arg2[%get3A_3, %get3A_4] : memref<8x256xf32, #tpu.memory_space<vmem>>, vector<1x256xf32>
    %mul3A = arith.constant 7.62939453E-6 : f32
    %mul3A_6 = vector.broadcast %mul3A : f32 to vector<1x256xf32>
    %mul3A_7 = arith.mulf %get3A_5, %mul3A_6 : vector<1x256xf32>
    %get3A_8 = arith.constant 1 : index
    %get3A_9 = arith.constant 0 : index
    %get3A_10 = vector.load %arg2[%get3A_8, %get3A_9] : memref<8x256xf32, #tpu.memory_space<vmem>>, vector<1x256xf32>
    %mul3A_11 = arith.constant 7.62939453E-6 : f32
    %mul3A_12 = vector.broadcast %mul3A_11 : f32 to vector<1x256xf32>
    %mul3A_13 = arith.mulf %get3A_10, %mul3A_12 : vector<1x256xf32>
    %mul3A_14 = arith.mulf %mul3A_7, %mul3A_7 : vector<1x256xf32>
    %sub3A = arith.subf %mul3A_13, %mul3A_14 : vector<1x256xf32>
    %broadcast_in_dim3A = vector.shape_cast %mul3A_7 : vector<1x256xf32> to vector<1x1x256xf32>
    %sub3A_15 = vector.broadcast %broadcast_in_dim3A : vector<1x1x256xf32> to vector<64x32x256xf32>
    %sub3A_16 = arith.subf %get3A_2, %sub3A_15 : vector<64x32x256xf32>
    %broadcast_in_dim3A_17 = vector.shape_cast %sub3A : vector<1x256xf32> to vector<1x1x256xf32>
    %add3A = arith.constant 9.99999974E-6 : f32
    %add3A_18 = vector.broadcast %add3A : f32 to vector<1x1x256xf32>
    %add3A_19 = arith.addf %broadcast_in_dim3A_17, %add3A_18 : vector<1x1x256xf32>
    %rsqrt3A = math.rsqrt %add3A_19 : vector<1x1x256xf32>
    %mul3A_20 = vector.broadcast %rsqrt3A : vector<1x1x256xf32> to vector<64x32x256xf32>
    %mul3A_21 = arith.mulf %sub3A_16, %mul3A_20 : vector<64x32x256xf32>
    %get3A_22 = arith.constant 0 : index
    %get3A_23 = arith.constant 0 : index
    %get3A_24 = vector.load %arg3[%get3A_22, %get3A_23] : memref<1x256xf32, #tpu.memory_space<vmem>>, vector<1x256xf32>
    %broadcast_in_dim3A_25 = vector.shape_cast %get3A_24 : vector<1x256xf32> to vector<1x1x256xf32>
    %mul3A_26 = vector.broadcast %broadcast_in_dim3A_25 : vector<1x1x256xf32> to vector<64x32x256xf32>
    %mul3A_27 = arith.mulf %mul3A_21, %mul3A_26 : vector<64x32x256xf32>
    %get3A_28 = arith.constant 0 : index
    %get3A_29 = arith.constant 0 : index
    %get3A_30 = vector.load %arg4[%get3A_28, %get3A_29] : memref<1x256xf32, #tpu.memory_space<vmem>>, vector<1x256xf32>
    %broadcast_in_dim3A_31 = vector.shape_cast %get3A_30 : vector<1x256xf32> to vector<1x1x256xf32>
    %add3A_32 = vector.broadcast %broadcast_in_dim3A_31 : vector<1x1x256xf32> to vector<64x32x256xf32>
    %add3A_33 = arith.addf %mul3A_27, %add3A_32 : vector<64x32x256xf32>
    %max3A = arith.constant 0.000000e+00 : f32
    %max3A_34 = vector.broadcast %max3A : f32 to vector<64x32x256xf32>
    %max3A_35 = arith.maximumf %add3A_33, %max3A_34 : vector<64x32x256xf32>
    %reduce_max3A = arith.constant dense<0xFF800000> : vector<64x256xf32>
    %reduce_max3A_36 = vector.multi_reduction <maximumf>, %max3A_35, %reduce_max3A [1] : vector<64x32x256xf32> to vector<64x256xf32>
    %swap3A = arith.constant 0 : index
    %swap3A_37 = arith.constant 0 : index
    %swap3A_38 = vector.load %arg5[%swap3A, %swap3A_37] : memref<64x256xf32, #tpu.memory_space<vmem>>, vector<64x256xf32>
    tpu.vector_store %arg5[%swap3A, %swap3A_37], %reduce_max3A_36 {strides = array<i32>} : memref<64x256xf32, #tpu.memory_space<vmem>>, vector<64x256xf32>,
    return
  }
  func.func @transform_0(%arg0: i32) -> (i32, i32, i32) {
    %c0_i32 = arith.constant 0 : i32
    %c0_i32_0 = arith.constant 0 : i32
    %c0_i32_1 = arith.constant 0 : i32
    return %arg0, %c0_i32, %c0_i32_0 : i32, i32, i32
  }
  func.func @transform_1(%arg0: i32) -> (i32, i32) {
    %c0_i32 = arith.constant 0 : i32
    %c0_i32_0 = arith.constant 0 : i32
    %c0_i32_1 = arith.constant 0 : i32
    return %c0_i32, %c0_i32_0 : i32, i32
  }
  func.func @transform_2(%arg0: i32) -> (i32, i32) {
    %c0_i32 = arith.constant 0 : i32
    %c0_i32_0 = arith.constant 0 : i32
    %c0_i32_1 = arith.constant 0 : i32
    return %c0_i32, %c0_i32_0 : i32, i32
  }
  func.func @transform_3(%arg0: i32) -> (i32, i32) {
    %c0_i32 = arith.constant 0 : i32
    %c0_i32_0 = arith.constant 0 : i32
    %c0_i32_1 = arith.constant 0 : i32
    return %c0_i32, %c0_i32_0 : i32, i32
  }
  func.func @transform_4(%arg0: i32) -> (i32, i32) {
    %c0_i32 = arith.constant 0 : i32
    %c0_i32_0 = arith.constant 0 : i32
    return %arg0, %c0_i32 : i32, i32
  }
}

</mosaic_0001>

<sc_bundles>
// kernel: kernel.10.cloned.1.call-start
scs
__scs_entry_jumppad:
0x0: {  	(pc) =	sbr.rel $0x88, $3  }
0x1: {  	(tag) =	ssettag $0x0;
	lr =	simm.s32 $0x1  }
0x2: {  	[smem:$0x3F93] =	sst lr;
	_ =	strace $0xD0000000  }
0x3: {  	_ = 	snop  }
0x4: {  	_ = 	snop  }
0x5: {  	_ = 	snop  }
0x6: {  	_ = 	snop  }
0x7: {  	_ = 	snop  }
__scs_overlays_trampoline_lowered:
0x8: {  	[smem:$0x3FA2] =	sst s0  }
0x9: {  	[smem:$0x3FA3] =	sst s1  }
0xa: {  	[smem:$0x3FA4] =	sst s2  }
0xb: {  	[smem:$0x3FA5] =	sst s3  }
0xc: {  	[smem:$0x3FA6] =	sst s4  }
0xd: {  	[smem:$0x3FA7] =	sst s5  }
0xe: {  	[smem:$0x3FA8] =	sst s6  }
0xf: {  	[smem:$0x3FA9] =	sst s7  }
0x10: {  	[smem:$0x3FAA] =	sst s8  }
0x11: {  	[smem:$0x3FAB] =	sst s9;
	s0 =	simm.s32 @!p0 $0x0  }
0x12: {  	s1 =	sld [smem:$0x3F91];
	s0 =	simm.s32 @p0 $0x1  }
0x13: {  	[smem:$0x3FAC] =	sst s0;
	s0 =	simm.s32 @!p1 $0x0  }
0x14: {  	s2 =	sld [smem:$0x3F90];
	s0 =	simm.s32 @p1 $0x1  }
0x15: {  	[smem:$0x3FAD] =	sst s0;
	s0 =	simm.s32 @!p2 $0x0  }
0x16: {  	s3 =	sld [smem:$0x3FDB];
	s0 =	simm.s32 @p2 $0x1  }
0x17: {  	s4 =	simm.s32 $0x1BF5;
	[smem:$0x3FAF] =	sst s0  }
0x18: {  	s0 =	sld [smem:$0x3F92];
	_ =	swait.ge [sflag:s4], $0x0  }
0x19: {  	s7 =	sld [smem:$0x3F93]  }
0x1a: {  	s8 =	sadd.s32 $0xFFFFE003, lr  }
0x1b: {  	s9 =	sadd.s32 $0xFFFFFEF7, lr;
	s5 =	simm.s32 $0xFFFFFFFF;
	p2 =	slt.u32 s8, $0xFFFFF086  }
0x1c: {  	p1 =	slt.u32 s9, $0xF7A;
	s5 =	simm.s32 @!p2 $0x0  }
0x1d: {  	s5 =	simm.s32 @p1 $0x1;
	p0 =	seq.s32 s7, s2  }
0x1e: {  	s7 =	smul.u32 @!p0 $0xF7A, s2;
	p2 =	seq.s32 @!p0 s5, $0x0  }
0x1f: {  	s9 =	smul.u32 $0xF7A, s1;
	s8 =	simm.s32 @!p0 $0x1BF5;
	p2 =	por !p2, p0  }
0x20: {  	[sflag:s8] =	ssyncset.s32 @!p0 $0xFFFFF086;
	s6 =	sadd.s32 @!p0 s3, s7;
	s7 =	simm.s32 @!p0 $0x108  }
0x21: {  	s3 =	sadd.s32 s3, s9;
	s6 =	sadd.s32 @!p0 $0x88, s6;
	s7 =	simm.s32 @p2 $0x1082  }
0x22: {  	[simem:s7], [sflag:s8] =	dma.local @!p0 [hbm:s6], $0xF7A  }
0x23: {  	s9 =	sor.u32 $0xD0000000, s2;
	s6 =	simm.s32 $0x108;
	_ =	swait.ge @!p0 [sflag:s8], $0x0  }
0x24: {  	s3 =	sadd.s32 $0x88, s3;
	s6 =	simm.s32 @!p1 $0x1082;
	[sflag:s4] =	ssyncset.s32 $0xFFFFF086  }
0x25: {  	[simem:s6], [sflag:s4] =	dma.local [hbm:s3], $0xF7A  }
0x26: {  	[smem:$0x3F93] =	sst s1;
	(tag) =	ssettag s2;
	_ =	strace s9  }
0x27: {  	s1 =	sld [smem:$0x3FA3]  }
0x28: {  	s2 =	sld [smem:$0x3FA4]  }
0x29: {  	s4 =	sld [smem:$0x3FA6]  }
0x2a: {  	p0 =	seq.s32 s5, $0x0;
	s5 =	sld [smem:$0x3FA7]  }
0x2b: {  	s6 =	sld [smem:$0x3FA8]  }
0x2c: {  	s7 =	sld [smem:$0x3FA9]  }
0x2d: {  	s3 =	simm.s32 $0x108;
	s8 =	sld [smem:$0x3FAA]  }
0x2e: {  	s3 =	simm.s32 @!p0 $0x1082;
	s9 =	sld [smem:$0x3FAB]  }
0x2f: {  	lr =	sadd.s32 s0, s3;
	s0 =	sld [smem:$0x3FA2]  }
0x30: {  	s3 =	sld [smem:$0x3FA5]  }
0x31: {  	[smem:$0x3FAE] =	sst s10  }
0x32: {  	s10 =	sld [smem:$0x3FAC];
	_ =	sdelay $0x3  }
0x33: {  	p0 =	seq.s32 s10, $0x1;
	s10 =	sld [smem:$0x3FAE];
	_ =	sdelay $0x3  }
0x34: {  	[smem:$0x3FAE] =	sst s10  }
0x35: {  	s10 =	sld [smem:$0x3FAD];
	_ =	sdelay $0x3  }
0x36: {  	p1 =	seq.s32 s10, $0x1;
	s10 =	sld [smem:$0x3FAE];
	_ =	sdelay $0x3  }
0x37: {  	[smem:$0x3FAE] =	sst s10  }
0x38: {  	s10 =	sld [smem:$0x3FAF]  }
0x39: {  	_ = 	snop;
	(pc) =	sbr.ind lr, $3  }
0x3a: {  	_ = 	snop  }
0x3b: {  	_ = 	snop  }
0x3c: {  	p2 =	seq.s32 s10, $0x1;
	s10 =	sld [smem:$0x3FAE]  }
0x3d: {  	_ =	shalt  }
0x3e: {  	_ =	shalt  }
0x3f: {  	_ =	shalt  }
0x40: {  	_ =	shalt  }
0x41: {  	_ =	shalt  }
0x42: {  	_ =	shalt  }
0x43: {  	_ =	shalt  }
0x44: {  	_ =	shalt  }
0x45: {  	_ =	shalt  }
0x46: {  	_ =	shalt  }
0x47: {  	_ =	shalt  }
0x48: {  	_ =	shalt  }
0x49: {  	_ =	shalt  }
0x4a: {  	_ =	shalt  }
0x4b: {  	_ =	shalt  }
0x4c: {  	_ =	shalt  }
0x4d: {  	_ =	shalt  }
0x4e: {  	_ =	shalt  }
0x4f: {  	_ =	shalt  }
0x50: {  	_ =	shalt  }
0x51: {  	_ =	shalt  }
0x52: {  	_ =	shalt  }
0x53: {  	_ =	shalt  }
0x54: {  	_ =	shalt  }
0x55: {  	_ =	shalt  }
0x56: {  	_ =	shalt  }
0x57: {  	_ =	shalt  }
0x58: {  	_ =	shalt  }
0x59: {  	_ =	shalt  }
0x5a: {  	_ =	shalt  }
0x5b: {  	_ =	shalt  }
0x5c: {  	_ =	shalt  }
0x5d: {  	_ =	shalt  }
0x5e: {  	_ =	shalt  }
0x5f: {  	_ =	shalt  }
0x60: {  	_ =	shalt  }
0x61: {  	_ =	shalt  }
0x62: {  	_ =	shalt  }
0x63: {  	_ =	shalt  }
0x64: {  	_ =	shalt  }
0x65: {  	_ =	shalt  }
0x66: {  	_ =	shalt  }
0x67: {  	_ =	shalt  }
0x68: {  	_ =	shalt  }
0x69: {  	_ =	shalt  }
0x6a: {  	_ =	shalt  }
0x6b: {  	_ =	shalt  }
0x6c: {  	_ =	shalt  }
0x6d: {  	_ =	shalt  }
0x6e: {  	_ =	shalt  }
0x6f: {  	_ =	shalt  }
0x70: {  	_ =	shalt  }
0x71: {  	_ =	shalt  }
0x72: {  	_ =	shalt  }
0x73: {  	_ =	shalt  }
0x74: {  	_ =	shalt  }
0x75: {  	_ =	shalt  }
0x76: {  	_ =	shalt  }
0x77: {  	_ =	shalt  }
0x78: {  	_ =	shalt  }
0x79: {  	_ =	shalt  }
0x7a: {  	_ =	shalt  }
0x7b: {  	_ =	shalt  }
0x7c: {  	_ =	shalt  }
0x7d: {  	_ =	shalt  }
0x7e: {  	_ =	shalt  }
0x7f: {  	_ =	shalt  }
0x80: {  	_ =	shalt  }
0x81: {  	_ =	shalt  }
0x82: {  	_ =	shalt  }
0x83: {  	_ =	shalt  }
0x84: {  	_ =	shalt  }
0x85: {  	_ =	shalt  }
0x86: {  	_ =	shalt  }
0x87: {  	_ =	shalt  }
.Lfunc_end0:
.L_simem_size_0:
called_computation_lowered:
.L_overlay_start_0:
0x88: {  	s2 =	sld [smem:$0x3FD9]  }
0x89: {  	s3 =	sld [smem:$0x3FFE];
	_ =	sdelay $0x1  }
0x8a: {  	s1 =	srdreg.scid  }
0x8b: {  	s0 =	sand.u32 $0x1, s1  }
0x8c: {  	s14 =	sshll.u32 s0, $0xA;
	s2 =	sadd.s32 s3, s2  }
0x8d: {  	s2 =	sadd.s32 s2, s14  }
0x8e: {  	[smem:$0x3FBA] =	sst s2  }
0x8f: {  	_ = 	snop  }
0x90: {  	s2 =	sld [smem:$0x3FD0];
	_ =	sdelay $0x2  }
0x91: {  	s15 =	simm.s32 $0xA;
	s4 =	simm.s32 $0x10  }
0x92: {  	[smem:s4], [sflag:s15] =	dma.local [hbm:s2], $0x1  }
0x93: {  	_ =	swait.eq [sflag:s15], $0x1  }
0x94: {  	[sflag:s15] =	ssyncset.done $0x0  }
0x95: {  	[sflag:s15] =	ssyncadd.s32 $0xFFFFFFFF  }
0x96: {  	s16 =	sld [smem:$0x11];
	(tm) =	ssettm $0x1  }
0x97: {  	s17 =	sld [smem:$0x3FFB];
	_ =	sdelay $0x3  }
0x98: {  	_ =	strace s17  }
0x99: {  	s3 =	sld [smem:$0x3FFC];
	_ =	sdelay $0x3  }
0x9a: {  	_ =	strace s3  }
0x9b: {  	s3 =	sld [smem:$0x3FFD];
	_ =	sdelay $0x3  }
0x9c: {  	_ =	strace s3  }
0x9d: {  	_ =	strace $0x8FFFFFFF  }
0x9e: {  	s18 =	sld [smem:$0x3FDB];
	_ =	sdelay $0x1  }
0x9f: {  	s19 =	simm.s32 $_scs_section_size  }
0xa0: {  	s5 =	simm.s32 $_size__tile_overlayer_lowered;
	s6 =	simm.s32 $_tile_overlayer_lowered  }
0xa1: {  	s22 =	simm.s32 $0x1BFF;
	s21 =	sshll.u32 s6, $0x1;
	s3 =	sadd.s32 s19, s18  }
0xa2: {  	s7 =	simm.s32 $0x0;
	s20 =	sshll.u32 s5, $0x1;
	s5 =	sadd.s32 s21, s3  }
0xa3: {  	[timem:s7], [sflag:s22] =	dma.local [hbm:s5], s20  }
0xa4: {  	_ =	swait.ge [sflag:s22], s20  }
0xa5: {  	s4 =	ssub.s32 $0x0, s20;
	[sflag:s22] =	ssyncset.done $0x0  }
0xa6: {  	[sflag:s22] =	ssyncadd.s32 s4;
	_ =	sdelay $0x1  }
0xa7: {  	s23 =	simm.s32 $0x1B8B  }
0xa8: {  	_ =	swait.ge [sflag:s23], $0x1  }
0xa9: {  	[sflag:s23] =	ssyncset.done $0x0  }
0xaa: {  	s25 =	simm.s32 $0x1B8E;
	s24 =	sld [smem:$0x3FFE];
	[sflag:s23] =	ssyncadd.s32 $0xFFFFFFFF  }
0xab: {  	s26 =	simm.s32 $execute0_lowered;
	[smem:$0x3FD2] =	sst s25  }
0xac: {  	s5 =	sshll.u32 s26, $0x1;
	_ =	strace $0x80000046;
	[dreg:$0x1] =	wrdreg $0xFFFFFFFF  }
0xad: {  	s28 =	simm.s32 $_size_execute0_lowered;
	s3 =	sadd.s32 s3, s5;
	[dreg:$0x0] =	wrdreg $0x0  }
0xae: {  	s5 =	sshll.u32 s28, $0x1;
	[dreg:$0x2] =	wrdreg s3  }
0xaf: {  	[dreg:$0x3] =	wrdreg s5  }
0xb0: {  	[dreg:$0x4] =	wrdreg $0xC0  }
0xb1: {  	_ =	task [dreg:s7], $0x5FFFF  }
0xb2: {  	[dreg:$0x1] =	wrdreg $0xFFFFFFFF  }
0xb3: {  	[dreg:$0x0] =	wrdreg $0x60  }
0xb4: {  	[dreg:$0x2] =	wrdreg s24  }
0xb5: {  	[dreg:$0x3] =	wrdreg s16  }
0xb6: {  	[dreg:$0x4] =	wrdreg $0x9  }
0xb7: {  	_ =	task.clear_ibuf [dreg:s7], $0x5FFFF;
	_ =	strace $0x90000046  }
0xb8: {  	s29 =	simm.s32 $0x9;
	_ =	strace $0x80000048  }
0xb9: {  	_ =	swait.ge [sflag:s29], $0x1  }
0xba: {  	[sflag:s29] =	ssyncadd.s32 $0xFFFFFFFF  }
0xbb: {  	_ =	strace $0x90000048  }
0xbc: {  	_ =	sfence  }
0xbd: {  	s30 =	sld [smem:$0x0];
	_ =	sdelay $0x2  }
0xbe: {  	s31 =	sshll.u32 s1, $0xD;
	s1 =	sshrl.u32 s1, $0x2  }
0xbf: {  	s3 =	sand.u32 $0x4000, s31;
	s1 =	sadd.s32 s1, s30  }
0xc0: {  	s0 =	sor.u32 s3, s0;
	s1 =	sshll.u32 s1, $0x11  }
0xc1: {  	s0 =	sor.u32 s1, s0  }
0xc2: {  	s0 =	sadd.s32 $0x8F2B, s0  }
0xc3: {  	[sflag:s0] =	ssyncadd.remote.s32 $0x1  }
0xc4: {  	_ =	sfence.sel $0xFFFF  }
0xc5: {  	[dreg:$0x0] =	wrdreg $0xFFFFFFFF;
	(pc) =	sbr.abs _section_cstart, $3  }
0xc6: {  	[dreg:$0x1] =	wrdreg $0xFFFFFFFF  }
0xc7: {  	_ =	task.clear_ibuf [dreg:s7], $0x2FFFF;
	_ =	strace $0x9FFFFFFF  }
0xc8: {  	(tm) =	ssettm $0x7FFFFFFF  }
0xc9: {  	_ =	shalt  }
tec
execute0_lowered:
.L_overlay_start_1:
0x0: {  	(tag) =	ssettag $0x1  }
0x1: {  	s4 =	rddreg [dreg:$0x0]  }
0x2: {  	s6 =	rddreg [dreg:$0x1]  }
0x3: {  	s0 =	rddreg [dreg:$0x2];
	s2 =	simm.s32 $0x0;
	s1 =	stileid.u32  }
0x4: {  	s3 =	srdreg.scid;
	[smem:$0x7FF] =	sst s2  }
0x5: {  	s5 =	sshll.u32 s1, $0x11;
	s7 =	sand.u32 $0x1, s3;
	s3 =	sadd.s32 $0x2E00, s4  }
0x6: {  	s9 =	sshll.u32 s1, $0xD;
	_ =	strace $0x80000047;
	s5 =	sadd.s32 s5, s4  }
0x7: {  	s29 =	ssub.s32 $0x2, s7;
	s10 =	sshll.u32 s7, $0xC;
	s7 =	sshll.u32 s7, $0x10  }
0x8: {  	s8 =	sshrl.u32 s29, $0x1;
	s30 =	sor.u32 s10, s9;
	s5 =	sadd.s32 s7, s5  }
0x9: {  	s7 =	simm.s32 $0x2;
	s9 =	simm.s32 $0x1;
	s10 =	simm.s32 $0x0  }
0xa: {  	s4 =	ssub.s32 s29, s8;
	s31 =	sshrl.u32 s30, $0x3;
	s5 =	sadd.s32 $0x42E00, s5  }
0xb: {  	s8 =	simm.s32 $0x80;
	s4 =	smax.u32 s4, $0x1;
	s6 =	sadd.s32 s31, s6  }
.LBB2_1:
0xc: {  	s11 =	sadd.s32 $0x0, s6  }
0xd: {  	[tilespmem:s2], [sflag:$0x2] =	stream.linear.gather [hbm4b:s11+s2], $0x80, $0x38;
	[tilespmem:$0x4080] =	vst v63  }
0xe: {  	_ =	swait.ge [sflag:s7], $0x80  }
0xf: {  	[sflag:s7] =	ssyncset.done $0x0  }
0x10: {  	[sflag:s7] =	ssyncadd.s32 $0xFFFFFF80  }
0x11: {  	[tilespmem:s8], [sflag:$0x1] =	stream.indirect.gather [hbm4b:s3+s8], $0x80, s2, s8, $0xb8;
	[tilespmem:$0x4080] =	vst v63  }
0x12: {  	_ =	swait.ge [sflag:s9], $0x4000  }
0x13: {  	[sflag:s9] =	ssyncset.done $0x0  }
0x14: {  	[sflag:s9] =	ssyncadd.s32 $0xFFFFC000  }
0x15: {  	[hbm4b:s5+s2] =	stream.linear.scatter [tilespmem:s8], [sflag:$0x2], $0x4000, $0x38;
	[tilespmem:$0x4080] =	vst v63  }
0x16: {  	s12 =	simm.s32 $0x10;
	_ =	swait.ge [sflag:s7], $0x4000  }
0x17: {  	s13 =	simm.s32 $0x20;
	s11 =	sadd.s32 $0x800, s5;
	[sflag:s7] =	ssyncset.done $0x0  }
.LBB2_2:
0x18: {  	s14 =	sadd.s32 s12, s6  }
0x19: {  	[sflag:s7] =	ssyncadd.s32 $0xFFFFC000;
	s12 =	smov.u32 s13;
	s15 =	sadd.s32 $0x10, s13  }
0x1a: {  	[tilespmem:s2], [sflag:$0x2] =	stream.linear.gather [hbm4b:s14+s2], $0x80, $0x38;
	[tilespmem:$0x4080] =	vst v63  }
0x1b: {  	p0 =	sne.s32 s13, $0x1F0;
	_ =	swait.ge [sflag:s7], $0x80  }
0x1c: {  	[sflag:s7] =	ssyncset.done $0x0  }
0x1d: {  	[sflag:s7] =	ssyncadd.s32 $0xFFFFFF80  }
0x1e: {  	[tilespmem:s8], [sflag:$0x1] =	stream.indirect.gather [hbm4b:s3+s8], $0x80, s2, s8, $0xb8;
	[tilespmem:$0x4080] =	vst v63  }
0x1f: {  	_ =	swait.ge [sflag:s9], $0x4000  }
.Ltmp0:
0x20: {  	[sflag:s9] =	ssyncset.done $0x0;
	(pc) =	sbr.rel @p0 .LBB2_2-.Ltmp0, $4  }
0x21: {  	[sflag:s9] =	ssyncadd.s32 $0xFFFFC000  }
0x22: {  	[hbm4b:s11+s2] =	stream.linear.scatter [tilespmem:s8], [sflag:$0x2], $0x4000, $0x38;
	[tilespmem:$0x4080] =	vst v63  }
0x23: {  	_ =	swait.ge [sflag:s7], $0x4000  }
0x24: {  	s13 =	smov.u32 s15;
	s11 =	sadd.s32 $0x800, s11;
	[sflag:s7] =	ssyncset.done $0x0  }
0x25: {  	s12 =	sadd.s32 s12, s6;
	[sflag:s7] =	ssyncadd.s32 $0xFFFFC000  }
0x26: {  	[tilespmem:s2], [sflag:$0x2] =	stream.linear.gather [hbm4b:s12+s2], $0x80, $0x38;
	[tilespmem:$0x4080] =	vst v63  }
0x27: {  	_ =	swait.ge [sflag:s7], $0x80  }
0x28: {  	[sflag:s7] =	ssyncset.done $0x0  }
0x29: {  	[sflag:s7] =	ssyncadd.s32 $0xFFFFFF80  }
0x2a: {  	[tilespmem:s8], [sflag:$0x1] =	stream.indirect.gather [hbm4b:s3+s8], $0x80, s2, s8, $0xb8;
	[tilespmem:$0x4080] =	vst v63  }
0x2b: {  	s10 =	sadd.s32 $0x1, s10;
	_ =	swait.ge [sflag:s9], $0x4000  }
0x2c: {  	p0 =	sne.s32 s10, s4;
	[sflag:s9] =	ssyncset.done $0x0  }
.Ltmp1:
0x2d: {  	[sflag:s9] =	ssyncadd.s32 $0xFFFFC000;
	(pc) =	sbr.rel @p0 .LBB2_1-.Ltmp1, $4  }
0x2e: {  	[hbm4b:s11+s2] =	stream.linear.scatter [tilespmem:s8], [sflag:$0x2], $0x4000, $0x38;
	[tilespmem:$0x4080] =	vst v63  }
0x2f: {  	_ =	swait.ge [sflag:s7], $0x4000  }
0x30: {  	[sflag:s7] =	ssyncset.done $0x0  }
0x31: {  	[sflag:s7] =	ssyncadd.s32 $0xFFFFC000  }
0x32: {  	_ =	sfence.sel $0x180000  }
0x33: {  	[bflag:$0x0] =	sbarrier.arrive $0xFFFF  }
0x34: {  	p0 =	sne.s32 s1, $0x0;
	_ =	strace $0x90000047  }
0x35: {  	s0 =	sadd.s32 @!p0 $0x100000, s0;
	[bflag:$0x2] =	sbarrier.arrive $0xFFFF  }
0x36: {  	[sflag:s0] =	ssyncadd.tile.s32 @!p0 $0x1;
	_ =	shalt  }
.Lfunc_end2:
_tile_overlayer_lowered:
.L_overlay_start_2:
0x37: {  	(tag) =	ssettag $0x2  }
0x38: {  	s0 =	rddreg [dreg:$0x0];
	s2 =	stileid.u32  }
0x39: {  	s1 =	rddreg [dreg:$0x1];
	p0 =	sne.s32 s2, $0x0  }
0x3a: {  	s3 =	rddreg [dreg:$0x2];
	[bflag:$0x3] =	sbarrier.arrive $0xFFFF;
	s2 =	simm.s32 @!p0 $0x1C02  }
0x3b: {  	[timem:s3], [sflag:s2] =	dma.local @!p0 [hbm:s0], s1  }
0x3c: {  	s0 =	simm.s32 @!p0 $0x2  }
0x3d: {  	_ =	swait.ge @!p0 [sflag:s0], s1  }
0x3e: {  	s1 =	ssub.s32 @!p0 $0x0, s1;
	[sflag:s0] =	ssyncset.done @!p0 $0x0  }
0x3f: {  	[sflag:s0] =	ssyncadd.s32 @!p0 s1  }
0x40: {  	[bflag:$0x3] =	sbarrier.arrive $0xFFFF  }
0x41: {  	_ =	shalt  }

</sc_bundles>
